<compile_context>
chip_gen: v7x
topology: tpu7x:2x2x1
jax: 0.10.2.dev20260603
libtpu: 0.0.44.dev20260713+nightly
codegen_flags: <defaults>
</compile_context>

<pallas_src>
import functools

import jax
import jax.numpy as jnp
from jax import lax
from jax.experimental import pallas as pl
from jax.experimental.pallas import tpu as pltpu
from jax.experimental.pallas import tpu_sc as plsc

BATCH = 4096
MAX_LEN = 200
D_MODEL = 64
LANES = 16
NUM_CORES = 2
NUM_SUBCORES = 16
NUM_WORKERS = NUM_CORES * NUM_SUBCORES
BPW = BATCH // NUM_WORKERS
IPW = BPW * MAX_LEN
SPLIT = (104, 96)


def kernel(x, token_table, pos_table):
    x_flat = x.astype(jnp.int32).reshape(-1)
    pos_flat = pos_table.reshape(-1)
    mesh = plsc.VectorSubcoreMesh(core_axis_name="c", subcore_axis_name="s")

    @functools.partial(
        pl.kernel,
        out_type=jax.ShapeDtypeStruct((BATCH * MAX_LEN, 2 * D_MODEL),
                                      jnp.float32),
        mesh=mesh,
        compiler_params=pltpu.CompilerParams(use_tc_tiling_on_sc=False),
        scratch_types=[
            pltpu.VMEM((IPW,), jnp.int32),
            pltpu.VMEM((MAX_LEN * D_MODEL,), jnp.float32),
            pltpu.VMEM((SPLIT[0], D_MODEL), jnp.float32),
            pltpu.VMEM((SPLIT[1], D_MODEL), jnp.float32),
            pltpu.VMEM((SPLIT[0], D_MODEL), jnp.float32),
            pltpu.VMEM((SPLIT[1], D_MODEL), jnp.float32),
        ] + [pltpu.SemaphoreType.DMA] * 8,
    )
    def sc_kernel(x_hbm, tok_hbm, pos_hbm, out_hbm, idx_v, pos_v,
                  r00, r01, r10, r11, *sems):
        rows = ((r00, r01), (r10, r11))
        gsem = (sems[0:2], sems[2:4])
        osem = (sems[4:6], sems[6:8])
        wid = lax.axis_index("s") * NUM_CORES + lax.axis_index("c")
        i0 = wid * IPW
        pltpu.sync_copy(x_hbm.at[pl.ds(i0, IPW)], idx_v)
        pltpu.sync_copy(pos_hbm, pos_v)

        def gather_op(r, a, c):
            l0 = 0 if c == 0 else SPLIT[0]
            return pltpu.make_async_copy(
                tok_hbm.at[idx_v.at[pl.ds(r * MAX_LEN + l0, SPLIT[c])]],
                rows[a][c], gsem[a][c])

        def put_op(r, a, c):
            l0 = 0 if c == 0 else SPLIT[0]
            return pltpu.make_async_copy(
                rows[a][c],
                out_hbm.at[pl.ds(i0 + r * MAX_LEN + l0, SPLIT[c]),
                           pl.ds(0, D_MODEL)],
                osem[a][c])

        for a in range(2):
            for c in range(2):
                gather_op(a, a, c).start()

        @pl.loop(0, BPW, step=2)
        def _(g):
            for a in range(2):
                for c in range(2):
                    r = g + a
                    l0 = 0 if c == 0 else SPLIT[0]
                    gather_op(r, a, c).wait()
                    buf = rows[a][c]

                    @pl.loop(0, SPLIT[c])
                    def _(i):
                        for j in range(D_MODEL // LANES):
                            sl = pl.ds(j * LANES, LANES)
                            plsc.addupdate(
                                buf.at[i, sl],
                                pos_v[pl.ds((l0 + i) * D_MODEL + j * LANES,
                                            LANES)])

                    put_op(r, a, c).start()
            for a in range(2):
                for c in range(2):
                    r = g + a
                    put_op(r, a, c).wait()

                    @pl.when(r + 2 < BPW)
                    def _():
                        gather_op(r + 2, a, c).start()

    wide = sc_kernel(x_flat, token_table, pos_flat)
    return wide[:, :D_MODEL].reshape(BATCH, MAX_LEN, D_MODEL)

# --- scband reference (transcript-rebuilt; emitter-appended) ---
"""Pipeline reference for scband-embeddings-layer-6425271075199 (READ-ONLY COPY).

The authoritative reference and input builder live on the scoring server;
editing this copy changes nothing except your own understanding.
"""

import jax, jax.numpy as jnp
import numpy as np

VOCAB = 1000000
MAX_LEN = 200
D_MODEL = 64
BATCH = 4096

def setup_inputs(seed: int = 0) -> dict:
    key = jax.random.key(seed)
    k1, k2, k3 = jax.random.split(key, 3)
    x = jax.random.randint(k1, (BATCH, MAX_LEN), 0, VOCAB, dtype=jnp.int64 if jax.config.jax_enable_x64 else jnp.int32)
    token_table = jax.random.normal(k2, (VOCAB, D_MODEL), dtype=jnp.float32) * 0.02
    pos_table = jax.random.normal(k3, (MAX_LEN, D_MODEL), dtype=jnp.float32) * 0.02
    return {"x": x, "token_table": token_table, "pos_table": pos_table}

def reference(x, token_table, pos_table):
    # token embedding lookup: gather rows of token_table
    tok = jnp.take(token_table, x, axis=0)            # [B, L, D]
    # position embedding over full max_len
    positions = jnp.arange(0, MAX_LEN)
    pos = jnp.take(pos_table, positions, axis=0)      # [L, D]
    return tok + pos[None, :, :]

if __name__ == "__main__":
    import jax
    _d = setup_inputs()
    print(jax.jit(kernel)(*tuple(_d.values())))

</pallas_src>

<mosaic_0001>
#map = affine_map<(d0, d1) -> (0)>
#map1 = affine_map<(d0, d1) -> (0, 0)>
module attributes {stable_mosaic.version = 14 : i64} {
  func.func @sc_kernel(%arg0: i32, %arg1: i32, %arg2: memref<819200xi32, #tpu.memory_space<hbm>>, %arg3: memref<1000000x64xf32, #tpu.memory_space<hbm>>, %arg4: memref<12800xf32, #tpu.memory_space<hbm>>, %arg5: memref<819200x128xf32, #tpu.memory_space<hbm>>, %arg6: memref<25600xi32, #tpu.memory_space<vmem>>, %arg7: memref<12800xf32, #tpu.memory_space<vmem>>, %arg8: memref<104x64xf32, #tpu.memory_space<vmem>>, %arg9: memref<96x64xf32, #tpu.memory_space<vmem>>, %arg10: memref<104x64xf32, #tpu.memory_space<vmem>>, %arg11: memref<96x64xf32, #tpu.memory_space<vmem>>, %arg12: memref<!tpu.dma_semaphore, #tpu.memory_space<semaphore_mem>>, %arg13: memref<!tpu.dma_semaphore, #tpu.memory_space<semaphore_mem>>, %arg14: memref<!tpu.dma_semaphore, #tpu.memory_space<semaphore_mem>>, %arg15: memref<!tpu.dma_semaphore, #tpu.memory_space<semaphore_mem>>, %arg16: memref<!tpu.dma_semaphore, #tpu.memory_space<semaphore_mem>>, %arg17: memref<!tpu.dma_semaphore, #tpu.memory_space<semaphore_mem>>, %arg18: memref<!tpu.dma_semaphore, #tpu.memory_space<semaphore_mem>>, %arg19: memref<!tpu.dma_semaphore, #tpu.memory_space<semaphore_mem>>) attributes {dimension_semantics = [#tpu.dimension_semantics<core_parallel>, #tpu.dimension_semantics<subcore_parallel>], iteration_bounds = array<i64: 2, 16>, scalar_prefetch = 0 : i64, scratch_operands = 14 : i64, tpu.core_type = #tpu.core_type<sc_vector_subcore>, window_params = [{transform_indices = #map}, {transform_indices = #map1}, {transform_indices = #map}, {transform_indices = #map1}]} {
    %mul3A = arith.constant 2 : i32
    %mul3A_0 = arith.muli %arg1, %mul3A : i32
    %add3A = arith.addi %mul3A_0, %arg0 : i32
    %mul3A_1 = arith.constant 25600 : i32
    %mul3A_2 = arith.muli %add3A, %mul3A_1 : i32
    "tpu.region"() ({
      %run_scoped3A = tpu.sem_alloc : memref<!tpu.dma_semaphore, #tpu.memory_space<semaphore_mem>>
      %dma_start3A_26 = tpu.memref_slice %arg2[%mul3A_2] : memref<819200xi32, #tpu.memory_space<hbm>> -> memref<25600xi32, #tpu.memory_space<hbm>>
      %dma_start3A_27 = tpu.memref_slice %arg2[%mul3A_2] : memref<819200xi32, #tpu.memory_space<hbm>> -> memref<25600xi32, #tpu.memory_space<hbm>>
      tpu.enqueue_dma source(%dma_start3A_27 : memref<25600xi32, #tpu.memory_space<hbm>>) target(%arg6 : memref<25600xi32, #tpu.memory_space<vmem>>) target_semaphore(%run_scoped3A : memref<!tpu.dma_semaphore, #tpu.memory_space<semaphore_mem>>)
      %dma_wait3A = tpu.memref_slice %arg2[%mul3A_2] : memref<819200xi32, #tpu.memory_space<hbm>> -> memref<25600xi32, #tpu.memory_space<hbm>>
      %dma_wait3A_28 = tpu.memref_slice %arg2[%mul3A_2] : memref<819200xi32, #tpu.memory_space<hbm>> -> memref<25600xi32, #tpu.memory_space<hbm>>
      tpu.wait_dma2 semaphore(%run_scoped3A : memref<!tpu.dma_semaphore, #tpu.memory_space<semaphore_mem>>) src(%dma_wait3A_28 : memref<25600xi32, #tpu.memory_space<hbm>>) dst(%arg6 : memref<25600xi32, #tpu.memory_space<vmem>>)
      tpu.yield
    }) : () -> ()
    "tpu.region"() ({
      %run_scoped3A = tpu.sem_alloc : memref<!tpu.dma_semaphore, #tpu.memory_space<semaphore_mem>>
      tpu.enqueue_dma source(%arg4 : memref<12800xf32, #tpu.memory_space<hbm>>) target(%arg7 : memref<12800xf32, #tpu.memory_space<vmem>>) target_semaphore(%run_scoped3A : memref<!tpu.dma_semaphore, #tpu.memory_space<semaphore_mem>>)
      tpu.wait_dma2 semaphore(%run_scoped3A : memref<!tpu.dma_semaphore, #tpu.memory_space<semaphore_mem>>) src(%arg4 : memref<12800xf32, #tpu.memory_space<hbm>>) dst(%arg7 : memref<12800xf32, #tpu.memory_space<vmem>>)
      tpu.yield
    }) : () -> ()
    %dma_start3A = arith.constant 0 : i32
    %dma_start3A_3 = tpu.memref_slice %arg6[%dma_start3A] : memref<25600xi32, #tpu.memory_space<vmem>> -> memref<104xi32, #tpu.memory_space<vmem>>
    %dma_start3A_4 = arith.constant 0 : i32
    %dma_start3A_5 = arith.constant 0 : i32
    %dma_start3A_6 = tpu.memref_slice %arg3[%dma_start3A_4, %dma_start3A_5] : memref<1000000x64xf32, #tpu.memory_space<hbm>> -> memref<1000000x64xf32, #tpu.memory_space<hbm>>
    tpu.enqueue_indirect_dma source(%dma_start3A_6 : memref<1000000x64xf32, #tpu.memory_space<hbm>>) target(%arg8 : memref<104x64xf32, #tpu.memory_space<vmem>>) offsets(%dma_start3A_3 : memref<104xi32, #tpu.memory_space<vmem>>) semaphore(%arg12 : memref<!tpu.dma_semaphore, #tpu.memory_space<semaphore_mem>>)
    %dma_start3A_7 = arith.constant 104 : i32
    %dma_start3A_8 = tpu.memref_slice %arg6[%dma_start3A_7] : memref<25600xi32, #tpu.memory_space<vmem>> -> memref<96xi32, #tpu.memory_space<vmem>>
    %dma_start3A_9 = arith.constant 0 : i32
    %dma_start3A_10 = arith.constant 0 : i32
    %dma_start3A_11 = tpu.memref_slice %arg3[%dma_start3A_9, %dma_start3A_10] : memref<1000000x64xf32, #tpu.memory_space<hbm>> -> memref<1000000x64xf32, #tpu.memory_space<hbm>>
    tpu.enqueue_indirect_dma source(%dma_start3A_11 : memref<1000000x64xf32, #tpu.memory_space<hbm>>) target(%arg9 : memref<96x64xf32, #tpu.memory_space<vmem>>) offsets(%dma_start3A_8 : memref<96xi32, #tpu.memory_space<vmem>>) semaphore(%arg13 : memref<!tpu.dma_semaphore, #tpu.memory_space<semaphore_mem>>)
    %dma_start3A_12 = arith.constant 200 : i32
    %dma_start3A_13 = tpu.memref_slice %arg6[%dma_start3A_12] : memref<25600xi32, #tpu.memory_space<vmem>> -> memref<104xi32, #tpu.memory_space<vmem>>
    %dma_start3A_14 = arith.constant 0 : i32
    %dma_start3A_15 = arith.constant 0 : i32
    %dma_start3A_16 = tpu.memref_slice %arg3[%dma_start3A_14, %dma_start3A_15] : memref<1000000x64xf32, #tpu.memory_space<hbm>> -> memref<1000000x64xf32, #tpu.memory_space<hbm>>
    tpu.enqueue_indirect_dma source(%dma_start3A_16 : memref<1000000x64xf32, #tpu.memory_space<hbm>>) target(%arg10 : memref<104x64xf32, #tpu.memory_space<vmem>>) offsets(%dma_start3A_13 : memref<104xi32, #tpu.memory_space<vmem>>) semaphore(%arg14 : memref<!tpu.dma_semaphore, #tpu.memory_space<semaphore_mem>>)
    %dma_start3A_17 = arith.constant 304 : i32
    %dma_start3A_18 = tpu.memref_slice %arg6[%dma_start3A_17] : memref<25600xi32, #tpu.memory_space<vmem>> -> memref<96xi32, #tpu.memory_space<vmem>>
    %dma_start3A_19 = arith.constant 0 : i32
    %dma_start3A_20 = arith.constant 0 : i32
    %dma_start3A_21 = tpu.memref_slice %arg3[%dma_start3A_19, %dma_start3A_20] : memref<1000000x64xf32, #tpu.memory_space<hbm>> -> memref<1000000x64xf32, #tpu.memory_space<hbm>>
    tpu.enqueue_indirect_dma source(%dma_start3A_21 : memref<1000000x64xf32, #tpu.memory_space<hbm>>) target(%arg11 : memref<96x64xf32, #tpu.memory_space<vmem>>) offsets(%dma_start3A_18 : memref<96xi32, #tpu.memory_space<vmem>>) semaphore(%arg15 : memref<!tpu.dma_semaphore, #tpu.memory_space<semaphore_mem>>)
    %scan3A = arith.constant 0 : i32
    %scan3A_22 = arith.constant 64 : i32
    %scan3A_23 = arith.addi %scan3A, %scan3A_22 : i32
    %scan3A_24 = arith.constant 1 : i32
    scf.for %scan3A_26 = %scan3A to %scan3A_23 step %scan3A_24  : i32 {
      %mul3A_27 = arith.constant 2 : i32
      %mul3A_28 = arith.muli %scan3A_26, %mul3A_27 : i32
      %add3A_29 = arith.constant 0 : i32
      %add3A_30 = arith.addi %add3A_29, %mul3A_28 : i32
      %add3A_31 = arith.constant 0 : i32
      %add3A_32 = arith.addi %add3A_30, %add3A_31 : i32
      %mul3A_33 = arith.constant 200 : i32
      %mul3A_34 = arith.muli %add3A_32, %mul3A_33 : i32
      %add3A_35 = arith.constant 0 : i32
      %add3A_36 = arith.addi %mul3A_34, %add3A_35 : i32
      %dma_wait3A = tpu.memref_slice %arg6[%add3A_36] : memref<25600xi32, #tpu.memory_space<vmem>> -> memref<104xi32, #tpu.memory_space<vmem>>
      %dma_wait3A_37 = arith.constant 0 : i32
      %dma_wait3A_38 = arith.constant 0 : i32
      %dma_wait3A_39 = tpu.memref_slice %arg3[%dma_wait3A_37, %dma_wait3A_38] : memref<1000000x64xf32, #tpu.memory_space<hbm>> -> memref<1000000x64xf32, #tpu.memory_space<hbm>>
      tpu.wait_indirect_dma semaphore(%arg12 : memref<!tpu.dma_semaphore, #tpu.memory_space<semaphore_mem>>) src(%dma_wait3A_39 : memref<1000000x64xf32, #tpu.memory_space<hbm>>) dst(%arg8 : memref<104x64xf32, #tpu.memory_space<vmem>>)
      %scan3A_40 = arith.constant 0 : i32
      %scan3A_41 = arith.constant 104 : i32
      %scan3A_42 = arith.addi %scan3A_40, %scan3A_41 : i32
      %scan3A_43 = arith.constant 1 : i32
      scf.for %scan3A_195 = %scan3A_40 to %scan3A_42 step %scan3A_43  : i32 {
        %mul3A_196 = arith.constant 1 : i32
        %mul3A_197 = arith.muli %scan3A_195, %mul3A_196 : i32
        %add3A_198 = arith.constant 0 : i32
        %add3A_199 = arith.addi %add3A_198, %mul3A_197 : i32
        %add3A_200 = arith.constant 0 : i32
        %add3A_201 = arith.addi %add3A_200, %add3A_199 : i32
        %mul3A_202 = arith.constant 64 : i32
        %mul3A_203 = arith.muli %add3A_201, %mul3A_202 : i32
        %add3A_204 = arith.constant 0 : i32
        %add3A_205 = arith.addi %mul3A_203, %add3A_204 : i32
        %get3A = arith.index_cast %add3A_205 : i32 to index
        %get3A_206 = tpu.vector_load %arg7[%get3A] {strides = array<i32>} : memref<12800xf32, #tpu.memory_space<vmem>>, vector<16xf32>,
        %get3A_207 = vector.shape_cast %get3A_206 : vector<16xf32> to vector<16xf32>
        %swap3A = arith.index_cast %add3A_199 : i32 to index
        %swap3A_208 = arith.constant 0 : index
        %swap3A_209 = tpu.vector_load %arg8[%swap3A, %swap3A_208] {strides = array<i32>} : memref<104x64xf32, #tpu.memory_space<vmem>>, vector<1x16xf32>,
        %swap3A_210 = vector.shape_cast %swap3A_209 : vector<1x16xf32> to vector<16xf32>
        %swap3A_211 = vector.shape_cast %get3A_207 : vector<16xf32> to vector<1x16xf32>
        tpu.vector_store %arg8[%swap3A, %swap3A_208], %swap3A_211 {add = true, strides = array<i32>} : memref<104x64xf32, #tpu.memory_space<vmem>>, vector<1x16xf32>,
        %add3A_212 = arith.constant 0 : i32
        %add3A_213 = arith.addi %add3A_212, %add3A_199 : i32
        %mul3A_214 = arith.constant 64 : i32
        %mul3A_215 = arith.muli %add3A_213, %mul3A_214 : i32
        %add3A_216 = arith.constant 16 : i32
        %add3A_217 = arith.addi %mul3A_215, %add3A_216 : i32
        %get3A_218 = arith.index_cast %add3A_217 : i32 to index
        %get3A_219 = tpu.vector_load %arg7[%get3A_218] {strides = array<i32>} : memref<12800xf32, #tpu.memory_space<vmem>>, vector<16xf32>,
        %get3A_220 = vector.shape_cast %get3A_219 : vector<16xf32> to vector<16xf32>
        %swap3A_221 = arith.index_cast %add3A_199 : i32 to index
        %swap3A_222 = arith.constant 16 : index
        %swap3A_223 = tpu.vector_load %arg8[%swap3A_221, %swap3A_222] {strides = array<i32>} : memref<104x64xf32, #tpu.memory_space<vmem>>, vector<1x16xf32>,
        %swap3A_224 = vector.shape_cast %swap3A_223 : vector<1x16xf32> to vector<16xf32>
        %swap3A_225 = vector.shape_cast %get3A_220 : vector<16xf32> to vector<1x16xf32>
        tpu.vector_store %arg8[%swap3A_221, %swap3A_222], %swap3A_225 {add = true, strides = array<i32>} : memref<104x64xf32, #tpu.memory_space<vmem>>, vector<1x16xf32>,
        %add3A_226 = arith.constant 0 : i32
        %add3A_227 = arith.addi %add3A_226, %add3A_199 : i32
        %mul3A_228 = arith.constant 64 : i32
        %mul3A_229 = arith.muli %add3A_227, %mul3A_228 : i32
        %add3A_230 = arith.constant 32 : i32
        %add3A_231 = arith.addi %mul3A_229, %add3A_230 : i32
        %get3A_232 = arith.index_cast %add3A_231 : i32 to index
        %get3A_233 = tpu.vector_load %arg7[%get3A_232] {strides = array<i32>} : memref<12800xf32, #tpu.memory_space<vmem>>, vector<16xf32>,
        %get3A_234 = vector.shape_cast %get3A_233 : vector<16xf32> to vector<16xf32>
        %swap3A_235 = arith.index_cast %add3A_199 : i32 to index
        %swap3A_236 = arith.constant 32 : index
        %swap3A_237 = tpu.vector_load %arg8[%swap3A_235, %swap3A_236] {strides = array<i32>} : memref<104x64xf32, #tpu.memory_space<vmem>>, vector<1x16xf32>,
        %swap3A_238 = vector.shape_cast %swap3A_237 : vector<1x16xf32> to vector<16xf32>
        %swap3A_239 = vector.shape_cast %get3A_234 : vector<16xf32> to vector<1x16xf32>
        tpu.vector_store %arg8[%swap3A_235, %swap3A_236], %swap3A_239 {add = true, strides = array<i32>} : memref<104x64xf32, #tpu.memory_space<vmem>>, vector<1x16xf32>,
        %add3A_240 = arith.constant 0 : i32
        %add3A_241 = arith.addi %add3A_240, %add3A_199 : i32
        %mul3A_242 = arith.constant 64 : i32
        %mul3A_243 = arith.muli %add3A_241, %mul3A_242 : i32
        %add3A_244 = arith.constant 48 : i32
        %add3A_245 = arith.addi %mul3A_243, %add3A_244 : i32
        %get3A_246 = arith.index_cast %add3A_245 : i32 to index
        %get3A_247 = tpu.vector_load %arg7[%get3A_246] {strides = array<i32>} : memref<12800xf32, #tpu.memory_space<vmem>>, vector<16xf32>,
        %get3A_248 = vector.shape_cast %get3A_247 : vector<16xf32> to vector<16xf32>
        %swap3A_249 = arith.index_cast %add3A_199 : i32 to index
        %swap3A_250 = arith.constant 48 : index
        %swap3A_251 = tpu.vector_load %arg8[%swap3A_249, %swap3A_250] {strides = array<i32>} : memref<104x64xf32, #tpu.memory_space<vmem>>, vector<1x16xf32>,
        %swap3A_252 = vector.shape_cast %swap3A_251 : vector<1x16xf32> to vector<16xf32>
        %swap3A_253 = vector.shape_cast %get3A_248 : vector<16xf32> to vector<1x16xf32>
        tpu.vector_store %arg8[%swap3A_249, %swap3A_250], %swap3A_253 {add = true, strides = array<i32>} : memref<104x64xf32, #tpu.memory_space<vmem>>, vector<1x16xf32>,
      }
      %scan3A_44 = arith.constant 104 : i32
      %mul3A_45 = arith.constant 200 : i32
      %mul3A_46 = arith.muli %add3A_32, %mul3A_45 : i32
      %add3A_47 = arith.addi %mul3A_2, %mul3A_46 : i32
      %add3A_48 = arith.constant 0 : i32
      %add3A_49 = arith.addi %add3A_47, %add3A_48 : i32
      %dma_start3A_50 = arith.constant 0 : i32
      %dma_start3A_51 = tpu.memref_slice %arg5[%add3A_49, %dma_start3A_50] : memref<819200x128xf32, #tpu.memory_space<hbm>> -> memref<104x64xf32, #tpu.memory_space<hbm>>
      %dma_start3A_52 = arith.constant 0 : i32
      %dma_start3A_53 = tpu.memref_slice %arg5[%add3A_49, %dma_start3A_52] : memref<819200x128xf32, #tpu.memory_space<hbm>> -> memref<104x64xf32, #tpu.memory_space<hbm>>
      tpu.enqueue_dma source(%arg8 : memref<104x64xf32, #tpu.memory_space<vmem>>) target(%dma_start3A_53 : memref<104x64xf32, #tpu.memory_space<hbm>>) target_semaphore(%arg16 : memref<!tpu.dma_semaphore, #tpu.memory_space<semaphore_mem>>)
      %add3A_54 = arith.constant 0 : i32
      %add3A_55 = arith.addi %add3A_30, %add3A_54 : i32
      %mul3A_56 = arith.constant 200 : i32
      %mul3A_57 = arith.muli %add3A_55, %mul3A_56 : i32
      %add3A_58 = arith.constant 104 : i32
      %add3A_59 = arith.addi %mul3A_57, %add3A_58 : i32
      %dma_wait3A_60 = tpu.memref_slice %arg6[%add3A_59] : memref<25600xi32, #tpu.memory_space<vmem>> -> memref<96xi32, #tpu.memory_space<vmem>>
      %dma_wait3A_61 = arith.constant 0 : i32
      %dma_wait3A_62 = arith.constant 0 : i32
      %dma_wait3A_63 = tpu.memref_slice %arg3[%dma_wait3A_61, %dma_wait3A_62] : memref<1000000x64xf32, #tpu.memory_space<hbm>> -> memref<1000000x64xf32, #tpu.memory_space<hbm>>
      tpu.wait_indirect_dma semaphore(%arg13 : memref<!tpu.dma_semaphore, #tpu.memory_space<semaphore_mem>>) src(%dma_wait3A_63 : memref<1000000x64xf32, #tpu.memory_space<hbm>>) dst(%arg9 : memref<96x64xf32, #tpu.memory_space<vmem>>)
      %scan3A_64 = arith.constant 0 : i32
      %scan3A_65 = arith.constant 96 : i32
      %scan3A_66 = arith.addi %scan3A_64, %scan3A_65 : i32
      %scan3A_67 = arith.constant 1 : i32
      scf.for %scan3A_195 = %scan3A_64 to %scan3A_66 step %scan3A_67  : i32 {
        %mul3A_196 = arith.constant 1 : i32
        %mul3A_197 = arith.muli %scan3A_195, %mul3A_196 : i32
        %add3A_198 = arith.constant 0 : i32
        %add3A_199 = arith.addi %add3A_198, %mul3A_197 : i32
        %add3A_200 = arith.constant 104 : i32
        %add3A_201 = arith.addi %add3A_200, %add3A_199 : i32
        %mul3A_202 = arith.constant 64 : i32
        %mul3A_203 = arith.muli %add3A_201, %mul3A_202 : i32
        %add3A_204 = arith.constant 0 : i32
        %add3A_205 = arith.addi %mul3A_203, %add3A_204 : i32
        %get3A = arith.index_cast %add3A_205 : i32 to index
        %get3A_206 = tpu.vector_load %arg7[%get3A] {strides = array<i32>} : memref<12800xf32, #tpu.memory_space<vmem>>, vector<16xf32>,
        %get3A_207 = vector.shape_cast %get3A_206 : vector<16xf32> to vector<16xf32>
        %swap3A = arith.index_cast %add3A_199 : i32 to index
        %swap3A_208 = arith.constant 0 : index
        %swap3A_209 = tpu.vector_load %arg9[%swap3A, %swap3A_208] {strides = array<i32>} : memref<96x64xf32, #tpu.memory_space<vmem>>, vector<1x16xf32>,
        %swap3A_210 = vector.shape_cast %swap3A_209 : vector<1x16xf32> to vector<16xf32>
        %swap3A_211 = vector.shape_cast %get3A_207 : vector<16xf32> to vector<1x16xf32>
        tpu.vector_store %arg9[%swap3A, %swap3A_208], %swap3A_211 {add = true, strides = array<i32>} : memref<96x64xf32, #tpu.memory_space<vmem>>, vector<1x16xf32>,
        %add3A_212 = arith.constant 104 : i32
        %add3A_213 = arith.addi %add3A_212, %add3A_199 : i32
        %mul3A_214 = arith.constant 64 : i32
        %mul3A_215 = arith.muli %add3A_213, %mul3A_214 : i32
        %add3A_216 = arith.constant 16 : i32
        %add3A_217 = arith.addi %mul3A_215, %add3A_216 : i32
        %get3A_218 = arith.index_cast %add3A_217 : i32 to index
        %get3A_219 = tpu.vector_load %arg7[%get3A_218] {strides = array<i32>} : memref<12800xf32, #tpu.memory_space<vmem>>, vector<16xf32>,
        %get3A_220 = vector.shape_cast %get3A_219 : vector<16xf32> to vector<16xf32>
        %swap3A_221 = arith.index_cast %add3A_199 : i32 to index
        %swap3A_222 = arith.constant 16 : index
        %swap3A_223 = tpu.vector_load %arg9[%swap3A_221, %swap3A_222] {strides = array<i32>} : memref<96x64xf32, #tpu.memory_space<vmem>>, vector<1x16xf32>,
        %swap3A_224 = vector.shape_cast %swap3A_223 : vector<1x16xf32> to vector<16xf32>
        %swap3A_225 = vector.shape_cast %get3A_220 : vector<16xf32> to vector<1x16xf32>
        tpu.vector_store %arg9[%swap3A_221, %swap3A_222], %swap3A_225 {add = true, strides = array<i32>} : memref<96x64xf32, #tpu.memory_space<vmem>>, vector<1x16xf32>,
        %add3A_226 = arith.constant 104 : i32
        %add3A_227 = arith.addi %add3A_226, %add3A_199 : i32
        %mul3A_228 = arith.constant 64 : i32
        %mul3A_229 = arith.muli %add3A_227, %mul3A_228 : i32
        %add3A_230 = arith.constant 32 : i32
        %add3A_231 = arith.addi %mul3A_229, %add3A_230 : i32
        %get3A_232 = arith.index_cast %add3A_231 : i32 to index
        %get3A_233 = tpu.vector_load %arg7[%get3A_232] {strides = array<i32>} : memref<12800xf32, #tpu.memory_space<vmem>>, vector<16xf32>,
        %get3A_234 = vector.shape_cast %get3A_233 : vector<16xf32> to vector<16xf32>
        %swap3A_235 = arith.index_cast %add3A_199 : i32 to index
        %swap3A_236 = arith.constant 32 : index
        %swap3A_237 = tpu.vector_load %arg9[%swap3A_235, %swap3A_236] {strides = array<i32>} : memref<96x64xf32, #tpu.memory_space<vmem>>, vector<1x16xf32>,
        %swap3A_238 = vector.shape_cast %swap3A_237 : vector<1x16xf32> to vector<16xf32>
        %swap3A_239 = vector.shape_cast %get3A_234 : vector<16xf32> to vector<1x16xf32>
        tpu.vector_store %arg9[%swap3A_235, %swap3A_236], %swap3A_239 {add = true, strides = array<i32>} : memref<96x64xf32, #tpu.memory_space<vmem>>, vector<1x16xf32>,
        %add3A_240 = arith.constant 104 : i32
        %add3A_241 = arith.addi %add3A_240, %add3A_199 : i32
        %mul3A_242 = arith.constant 64 : i32
        %mul3A_243 = arith.muli %add3A_241, %mul3A_242 : i32
        %add3A_244 = arith.constant 48 : i32
        %add3A_245 = arith.addi %mul3A_243, %add3A_244 : i32
        %get3A_246 = arith.index_cast %add3A_245 : i32 to index
        %get3A_247 = tpu.vector_load %arg7[%get3A_246] {strides = array<i32>} : memref<12800xf32, #tpu.memory_space<vmem>>, vector<16xf32>,
        %get3A_248 = vector.shape_cast %get3A_247 : vector<16xf32> to vector<16xf32>
        %swap3A_249 = arith.index_cast %add3A_199 : i32 to index
        %swap3A_250 = arith.constant 48 : index
        %swap3A_251 = tpu.vector_load %arg9[%swap3A_249, %swap3A_250] {strides = array<i32>} : memref<96x64xf32, #tpu.memory_space<vmem>>, vector<1x16xf32>,
        %swap3A_252 = vector.shape_cast %swap3A_251 : vector<1x16xf32> to vector<16xf32>
        %swap3A_253 = vector.shape_cast %get3A_248 : vector<16xf32> to vector<1x16xf32>
        tpu.vector_store %arg9[%swap3A_249, %swap3A_250], %swap3A_253 {add = true, strides = array<i32>} : memref<96x64xf32, #tpu.memory_space<vmem>>, vector<1x16xf32>,
      }
      %scan3A_68 = arith.constant 96 : i32
      %mul3A_69 = arith.constant 200 : i32
      %mul3A_70 = arith.muli %add3A_55, %mul3A_69 : i32
      %add3A_71 = arith.addi %mul3A_2, %mul3A_70 : i32
      %add3A_72 = arith.constant 104 : i32
      %add3A_73 = arith.addi %add3A_71, %add3A_72 : i32
      %dma_start3A_74 = arith.constant 0 : i32
      %dma_start3A_75 = tpu.memref_slice %arg5[%add3A_73, %dma_start3A_74] : memref<819200x128xf32, #tpu.memory_space<hbm>> -> memref<96x64xf32, #tpu.memory_space<hbm>>
      %dma_start3A_76 = arith.constant 0 : i32
      %dma_start3A_77 = tpu.memref_slice %arg5[%add3A_73, %dma_start3A_76] : memref<819200x128xf32, #tpu.memory_space<hbm>> -> memref<96x64xf32, #tpu.memory_space<hbm>>
      tpu.enqueue_dma source(%arg9 : memref<96x64xf32, #tpu.memory_space<vmem>>) target(%dma_start3A_77 : memref<96x64xf32, #tpu.memory_space<hbm>>) target_semaphore(%arg17 : memref<!tpu.dma_semaphore, #tpu.memory_space<semaphore_mem>>)
      %add3A_78 = arith.constant 1 : i32
      %add3A_79 = arith.addi %add3A_30, %add3A_78 : i32
      %mul3A_80 = arith.constant 200 : i32
      %mul3A_81 = arith.muli %add3A_79, %mul3A_80 : i32
      %add3A_82 = arith.constant 0 : i32
      %add3A_83 = arith.addi %mul3A_81, %add3A_82 : i32
      %dma_wait3A_84 = tpu.memref_slice %arg6[%add3A_83] : memref<25600xi32, #tpu.memory_space<vmem>> -> memref<104xi32, #tpu.memory_space<vmem>>
      %dma_wait3A_85 = arith.constant 0 : i32
      %dma_wait3A_86 = arith.constant 0 : i32
      %dma_wait3A_87 = tpu.memref_slice %arg3[%dma_wait3A_85, %dma_wait3A_86] : memref<1000000x64xf32, #tpu.memory_space<hbm>> -> memref<1000000x64xf32, #tpu.memory_space<hbm>>
      tpu.wait_indirect_dma semaphore(%arg14 : memref<!tpu.dma_semaphore, #tpu.memory_space<semaphore_mem>>) src(%dma_wait3A_87 : memref<1000000x64xf32, #tpu.memory_space<hbm>>) dst(%arg10 : memref<104x64xf32, #tpu.memory_space<vmem>>)
      %scan3A_88 = arith.constant 0 : i32
      %scan3A_89 = arith.constant 104 : i32
      %scan3A_90 = arith.addi %scan3A_88, %scan3A_89 : i32
      %scan3A_91 = arith.constant 1 : i32
      scf.for %scan3A_195 = %scan3A_88 to %scan3A_90 step %scan3A_91  : i32 {
        %mul3A_196 = arith.constant 1 : i32
        %mul3A_197 = arith.muli %scan3A_195, %mul3A_196 : i32
        %add3A_198 = arith.constant 0 : i32
        %add3A_199 = arith.addi %add3A_198, %mul3A_197 : i32
        %add3A_200 = arith.constant 0 : i32
        %add3A_201 = arith.addi %add3A_200, %add3A_199 : i32
        %mul3A_202 = arith.constant 64 : i32
        %mul3A_203 = arith.muli %add3A_201, %mul3A_202 : i32
        %add3A_204 = arith.constant 0 : i32
        %add3A_205 = arith.addi %mul3A_203, %add3A_204 : i32
        %get3A = arith.index_cast %add3A_205 : i32 to index
        %get3A_206 = tpu.vector_load %arg7[%get3A] {strides = array<i32>} : memref<12800xf32, #tpu.memory_space<vmem>>, vector<16xf32>,
        %get3A_207 = vector.shape_cast %get3A_206 : vector<16xf32> to vector<16xf32>
        %swap3A = arith.index_cast %add3A_199 : i32 to index
        %swap3A_208 = arith.constant 0 : index
        %swap3A_209 = tpu.vector_load %arg10[%swap3A, %swap3A_208] {strides = array<i32>} : memref<104x64xf32, #tpu.memory_space<vmem>>, vector<1x16xf32>,
        %swap3A_210 = vector.shape_cast %swap3A_209 : vector<1x16xf32> to vector<16xf32>
        %swap3A_211 = vector.shape_cast %get3A_207 : vector<16xf32> to vector<1x16xf32>
        tpu.vector_store %arg10[%swap3A, %swap3A_208], %swap3A_211 {add = true, strides = array<i32>} : memref<104x64xf32, #tpu.memory_space<vmem>>, vector<1x16xf32>,
        %add3A_212 = arith.constant 0 : i32
        %add3A_213 = arith.addi %add3A_212, %add3A_199 : i32
        %mul3A_214 = arith.constant 64 : i32
        %mul3A_215 = arith.muli %add3A_213, %mul3A_214 : i32
        %add3A_216 = arith.constant 16 : i32
        %add3A_217 = arith.addi %mul3A_215, %add3A_216 : i32
        %get3A_218 = arith.index_cast %add3A_217 : i32 to index
        %get3A_219 = tpu.vector_load %arg7[%get3A_218] {strides = array<i32>} : memref<12800xf32, #tpu.memory_space<vmem>>, vector<16xf32>,
        %get3A_220 = vector.shape_cast %get3A_219 : vector<16xf32> to vector<16xf32>
        %swap3A_221 = arith.index_cast %add3A_199 : i32 to index
        %swap3A_222 = arith.constant 16 : index
        %swap3A_223 = tpu.vector_load %arg10[%swap3A_221, %swap3A_222] {strides = array<i32>} : memref<104x64xf32, #tpu.memory_space<vmem>>, vector<1x16xf32>,
        %swap3A_224 = vector.shape_cast %swap3A_223 : vector<1x16xf32> to vector<16xf32>
        %swap3A_225 = vector.shape_cast %get3A_220 : vector<16xf32> to vector<1x16xf32>
        tpu.vector_store %arg10[%swap3A_221, %swap3A_222], %swap3A_225 {add = true, strides = array<i32>} : memref<104x64xf32, #tpu.memory_space<vmem>>, vector<1x16xf32>,
        %add3A_226 = arith.constant 0 : i32
        %add3A_227 = arith.addi %add3A_226, %add3A_199 : i32
        %mul3A_228 = arith.constant 64 : i32
        %mul3A_229 = arith.muli %add3A_227, %mul3A_228 : i32
        %add3A_230 = arith.constant 32 : i32
        %add3A_231 = arith.addi %mul3A_229, %add3A_230 : i32
        %get3A_232 = arith.index_cast %add3A_231 : i32 to index
        %get3A_233 = tpu.vector_load %arg7[%get3A_232] {strides = array<i32>} : memref<12800xf32, #tpu.memory_space<vmem>>, vector<16xf32>,
        %get3A_234 = vector.shape_cast %get3A_233 : vector<16xf32> to vector<16xf32>
        %swap3A_235 = arith.index_cast %add3A_199 : i32 to index
        %swap3A_236 = arith.constant 32 : index
        %swap3A_237 = tpu.vector_load %arg10[%swap3A_235, %swap3A_236] {strides = array<i32>} : memref<104x64xf32, #tpu.memory_space<vmem>>, vector<1x16xf32>,
        %swap3A_238 = vector.shape_cast %swap3A_237 : vector<1x16xf32> to vector<16xf32>
        %swap3A_239 = vector.shape_cast %get3A_234 : vector<16xf32> to vector<1x16xf32>
        tpu.vector_store %arg10[%swap3A_235, %swap3A_236], %swap3A_239 {add = true, strides = array<i32>} : memref<104x64xf32, #tpu.memory_space<vmem>>, vector<1x16xf32>,
        %add3A_240 = arith.constant 0 : i32
        %add3A_241 = arith.addi %add3A_240, %add3A_199 : i32
        %mul3A_242 = arith.constant 64 : i32
        %mul3A_243 = arith.muli %add3A_241, %mul3A_242 : i32
        %add3A_244 = arith.constant 48 : i32
        %add3A_245 = arith.addi %mul3A_243, %add3A_244 : i32
        %get3A_246 = arith.index_cast %add3A_245 : i32 to index
        %get3A_247 = tpu.vector_load %arg7[%get3A_246] {strides = array<i32>} : memref<12800xf32, #tpu.memory_space<vmem>>, vector<16xf32>,
        %get3A_248 = vector.shape_cast %get3A_247 : vector<16xf32> to vector<16xf32>
        %swap3A_249 = arith.index_cast %add3A_199 : i32 to index
        %swap3A_250 = arith.constant 48 : index
        %swap3A_251 = tpu.vector_load %arg10[%swap3A_249, %swap3A_250] {strides = array<i32>} : memref<104x64xf32, #tpu.memory_space<vmem>>, vector<1x16xf32>,
        %swap3A_252 = vector.shape_cast %swap3A_251 : vector<1x16xf32> to vector<16xf32>
        %swap3A_253 = vector.shape_cast %get3A_248 : vector<16xf32> to vector<1x16xf32>
        tpu.vector_store %arg10[%swap3A_249, %swap3A_250], %swap3A_253 {add = true, strides = array<i32>} : memref<104x64xf32, #tpu.memory_space<vmem>>, vector<1x16xf32>,
      }
      %scan3A_92 = arith.constant 104 : i32
      %mul3A_93 = arith.constant 200 : i32
      %mul3A_94 = arith.muli %add3A_79, %mul3A_93 : i32
      %add3A_95 = arith.addi %mul3A_2, %mul3A_94 : i32
      %add3A_96 = arith.constant 0 : i32
      %add3A_97 = arith.addi %add3A_95, %add3A_96 : i32
      %dma_start3A_98 = arith.constant 0 : i32
      %dma_start3A_99 = tpu.memref_slice %arg5[%add3A_97, %dma_start3A_98] : memref<819200x128xf32, #tpu.memory_space<hbm>> -> memref<104x64xf32, #tpu.memory_space<hbm>>
      %dma_start3A_100 = arith.constant 0 : i32
      %dma_start3A_101 = tpu.memref_slice %arg5[%add3A_97, %dma_start3A_100] : memref<819200x128xf32, #tpu.memory_space<hbm>> -> memref<104x64xf32, #tpu.memory_space<hbm>>
      tpu.enqueue_dma source(%arg10 : memref<104x64xf32, #tpu.memory_space<vmem>>) target(%dma_start3A_101 : memref<104x64xf32, #tpu.memory_space<hbm>>) target_semaphore(%arg18 : memref<!tpu.dma_semaphore, #tpu.memory_space<semaphore_mem>>)
      %add3A_102 = arith.constant 1 : i32
      %add3A_103 = arith.addi %add3A_30, %add3A_102 : i32
      %mul3A_104 = arith.constant 200 : i32
      %mul3A_105 = arith.muli %add3A_103, %mul3A_104 : i32
      %add3A_106 = arith.constant 104 : i32
      %add3A_107 = arith.addi %mul3A_105, %add3A_106 : i32
      %dma_wait3A_108 = tpu.memref_slice %arg6[%add3A_107] : memref<25600xi32, #tpu.memory_space<vmem>> -> memref<96xi32, #tpu.memory_space<vmem>>
      %dma_wait3A_109 = arith.constant 0 : i32
      %dma_wait3A_110 = arith.constant 0 : i32
      %dma_wait3A_111 = tpu.memref_slice %arg3[%dma_wait3A_109, %dma_wait3A_110] : memref<1000000x64xf32, #tpu.memory_space<hbm>> -> memref<1000000x64xf32, #tpu.memory_space<hbm>>
      tpu.wait_indirect_dma semaphore(%arg15 : memref<!tpu.dma_semaphore, #tpu.memory_space<semaphore_mem>>) src(%dma_wait3A_111 : memref<1000000x64xf32, #tpu.memory_space<hbm>>) dst(%arg11 : memref<96x64xf32, #tpu.memory_space<vmem>>)
      %scan3A_112 = arith.constant 0 : i32
      %scan3A_113 = arith.constant 96 : i32
      %scan3A_114 = arith.addi %scan3A_112, %scan3A_113 : i32
      %scan3A_115 = arith.constant 1 : i32
      scf.for %scan3A_195 = %scan3A_112 to %scan3A_114 step %scan3A_115  : i32 {
        %mul3A_196 = arith.constant 1 : i32
        %mul3A_197 = arith.muli %scan3A_195, %mul3A_196 : i32
        %add3A_198 = arith.constant 0 : i32
        %add3A_199 = arith.addi %add3A_198, %mul3A_197 : i32
        %add3A_200 = arith.constant 104 : i32
        %add3A_201 = arith.addi %add3A_200, %add3A_199 : i32
        %mul3A_202 = arith.constant 64 : i32
        %mul3A_203 = arith.muli %add3A_201, %mul3A_202 : i32
        %add3A_204 = arith.constant 0 : i32
        %add3A_205 = arith.addi %mul3A_203, %add3A_204 : i32
        %get3A = arith.index_cast %add3A_205 : i32 to index
        %get3A_206 = tpu.vector_load %arg7[%get3A] {strides = array<i32>} : memref<12800xf32, #tpu.memory_space<vmem>>, vector<16xf32>,
        %get3A_207 = vector.shape_cast %get3A_206 : vector<16xf32> to vector<16xf32>
        %swap3A = arith.index_cast %add3A_199 : i32 to index
        %swap3A_208 = arith.constant 0 : index
        %swap3A_209 = tpu.vector_load %arg11[%swap3A, %swap3A_208] {strides = array<i32>} : memref<96x64xf32, #tpu.memory_space<vmem>>, vector<1x16xf32>,
        %swap3A_210 = vector.shape_cast %swap3A_209 : vector<1x16xf32> to vector<16xf32>
        %swap3A_211 = vector.shape_cast %get3A_207 : vector<16xf32> to vector<1x16xf32>
        tpu.vector_store %arg11[%swap3A, %swap3A_208], %swap3A_211 {add = true, strides = array<i32>} : memref<96x64xf32, #tpu.memory_space<vmem>>, vector<1x16xf32>,
        %add3A_212 = arith.constant 104 : i32
        %add3A_213 = arith.addi %add3A_212, %add3A_199 : i32
        %mul3A_214 = arith.constant 64 : i32
        %mul3A_215 = arith.muli %add3A_213, %mul3A_214 : i32
        %add3A_216 = arith.constant 16 : i32
        %add3A_217 = arith.addi %mul3A_215, %add3A_216 : i32
        %get3A_218 = arith.index_cast %add3A_217 : i32 to index
        %get3A_219 = tpu.vector_load %arg7[%get3A_218] {strides = array<i32>} : memref<12800xf32, #tpu.memory_space<vmem>>, vector<16xf32>,
        %get3A_220 = vector.shape_cast %get3A_219 : vector<16xf32> to vector<16xf32>
        %swap3A_221 = arith.index_cast %add3A_199 : i32 to index
        %swap3A_222 = arith.constant 16 : index
        %swap3A_223 = tpu.vector_load %arg11[%swap3A_221, %swap3A_222] {strides = array<i32>} : memref<96x64xf32, #tpu.memory_space<vmem>>, vector<1x16xf32>,
        %swap3A_224 = vector.shape_cast %swap3A_223 : vector<1x16xf32> to vector<16xf32>
        %swap3A_225 = vector.shape_cast %get3A_220 : vector<16xf32> to vector<1x16xf32>
        tpu.vector_store %arg11[%swap3A_221, %swap3A_222], %swap3A_225 {add = true, strides = array<i32>} : memref<96x64xf32, #tpu.memory_space<vmem>>, vector<1x16xf32>,
        %add3A_226 = arith.constant 104 : i32
        %add3A_227 = arith.addi %add3A_226, %add3A_199 : i32
        %mul3A_228 = arith.constant 64 : i32
        %mul3A_229 = arith.muli %add3A_227, %mul3A_228 : i32
        %add3A_230 = arith.constant 32 : i32
        %add3A_231 = arith.addi %mul3A_229, %add3A_230 : i32
        %get3A_232 = arith.index_cast %add3A_231 : i32 to index
        %get3A_233 = tpu.vector_load %arg7[%get3A_232] {strides = array<i32>} : memref<12800xf32, #tpu.memory_space<vmem>>, vector<16xf32>,
        %get3A_234 = vector.shape_cast %get3A_233 : vector<16xf32> to vector<16xf32>
        %swap3A_235 = arith.index_cast %add3A_199 : i32 to index
        %swap3A_236 = arith.constant 32 : index
        %swap3A_237 = tpu.vector_load %arg11[%swap3A_235, %swap3A_236] {strides = array<i32>} : memref<96x64xf32, #tpu.memory_space<vmem>>, vector<1x16xf32>,
        %swap3A_238 = vector.shape_cast %swap3A_237 : vector<1x16xf32> to vector<16xf32>
        %swap3A_239 = vector.shape_cast %get3A_234 : vector<16xf32> to vector<1x16xf32>
        tpu.vector_store %arg11[%swap3A_235, %swap3A_236], %swap3A_239 {add = true, strides = array<i32>} : memref<96x64xf32, #tpu.memory_space<vmem>>, vector<1x16xf32>,
        %add3A_240 = arith.constant 104 : i32
        %add3A_241 = arith.addi %add3A_240, %add3A_199 : i32
        %mul3A_242 = arith.constant 64 : i32
        %mul3A_243 = arith.muli %add3A_241, %mul3A_242 : i32
        %add3A_244 = arith.constant 48 : i32
        %add3A_245 = arith.addi %mul3A_243, %add3A_244 : i32
        %get3A_246 = arith.index_cast %add3A_245 : i32 to index
        %get3A_247 = tpu.vector_load %arg7[%get3A_246] {strides = array<i32>} : memref<12800xf32, #tpu.memory_space<vmem>>, vector<16xf32>,
        %get3A_248 = vector.shape_cast %get3A_247 : vector<16xf32> to vector<16xf32>
        %swap3A_249 = arith.index_cast %add3A_199 : i32 to index
        %swap3A_250 = arith.constant 48 : index
        %swap3A_251 = tpu.vector_load %arg11[%swap3A_249, %swap3A_250] {strides = array<i32>} : memref<96x64xf32, #tpu.memory_space<vmem>>, vector<1x16xf32>,
        %swap3A_252 = vector.shape_cast %swap3A_251 : vector<1x16xf32> to vector<16xf32>
        %swap3A_253 = vector.shape_cast %get3A_248 : vector<16xf32> to vector<1x16xf32>
        tpu.vector_store %arg11[%swap3A_249, %swap3A_250], %swap3A_253 {add = true, strides = array<i32>} : memref<96x64xf32, #tpu.memory_space<vmem>>, vector<1x16xf32>,
      }
      %scan3A_116 = arith.constant 96 : i32
      %mul3A_117 = arith.constant 200 : i32
      %mul3A_118 = arith.muli %add3A_103, %mul3A_117 : i32
      %add3A_119 = arith.addi %mul3A_2, %mul3A_118 : i32
      %add3A_120 = arith.constant 104 : i32
      %add3A_121 = arith.addi %add3A_119, %add3A_120 : i32
      %dma_start3A_122 = arith.constant 0 : i32
      %dma_start3A_123 = tpu.memref_slice %arg5[%add3A_121, %dma_start3A_122] : memref<819200x128xf32, #tpu.memory_space<hbm>> -> memref<96x64xf32, #tpu.memory_space<hbm>>
      %dma_start3A_124 = arith.constant 0 : i32
      %dma_start3A_125 = tpu.memref_slice %arg5[%add3A_121, %dma_start3A_124] : memref<819200x128xf32, #tpu.memory_space<hbm>> -> memref<96x64xf32, #tpu.memory_space<hbm>>
      tpu.enqueue_dma source(%arg11 : memref<96x64xf32, #tpu.memory_space<vmem>>) target(%dma_start3A_125 : memref<96x64xf32, #tpu.memory_space<hbm>>) target_semaphore(%arg19 : memref<!tpu.dma_semaphore, #tpu.memory_space<semaphore_mem>>)
      %add3A_126 = arith.constant 0 : i32
      %add3A_127 = arith.addi %add3A_30, %add3A_126 : i32
      %mul3A_128 = arith.constant 200 : i32
      %mul3A_129 = arith.muli %add3A_127, %mul3A_128 : i32
      %add3A_130 = arith.addi %mul3A_2, %mul3A_129 : i32
      %add3A_131 = arith.constant 0 : i32
      %add3A_132 = arith.addi %add3A_130, %add3A_131 : i32
      %dma_wait3A_133 = arith.constant 0 : i32
      %dma_wait3A_134 = tpu.memref_slice %arg5[%add3A_132, %dma_wait3A_133] : memref<819200x128xf32, #tpu.memory_space<hbm>> -> memref<104x64xf32, #tpu.memory_space<hbm>>
      %dma_wait3A_135 = arith.constant 0 : i32
      %dma_wait3A_136 = tpu.memref_slice %arg5[%add3A_132, %dma_wait3A_135] : memref<819200x128xf32, #tpu.memory_space<hbm>> -> memref<104x64xf32, #tpu.memory_space<hbm>>
      tpu.wait_dma2 semaphore(%arg16 : memref<!tpu.dma_semaphore, #tpu.memory_space<semaphore_mem>>) src(%arg8 : memref<104x64xf32, #tpu.memory_space<vmem>>) dst(%dma_wait3A_136 : memref<104x64xf32, #tpu.memory_space<hbm>>)
      %add3A_137 = arith.constant 2 : i32
      %add3A_138 = arith.addi %add3A_127, %add3A_137 : i32
      %lt3A = arith.constant 128 : i32
      %lt3A_139 = arith.cmpi slt, %add3A_138, %lt3A : i32
      %convert_element_type3A = arith.extui %lt3A_139 : i1 to i32
      %cond3A = arith.constant 0 : i32
      %cond3A_140 = arith.cmpi ne, %convert_element_type3A, %cond3A : i32
      scf.if %cond3A_140 {
        %add3A_195 = arith.constant 2 : i32
        %add3A_196 = arith.addi %add3A_127, %add3A_195 : i32
        %mul3A_197 = arith.constant 200 : i32
        %mul3A_198 = arith.muli %add3A_196, %mul3A_197 : i32
        %add3A_199 = arith.constant 0 : i32
        %add3A_200 = arith.addi %mul3A_198, %add3A_199 : i32
        %dma_start3A_201 = tpu.memref_slice %arg6[%add3A_200] : memref<25600xi32, #tpu.memory_space<vmem>> -> memref<104xi32, #tpu.memory_space<vmem>>
        %dma_start3A_202 = arith.constant 0 : i32
        %dma_start3A_203 = arith.constant 0 : i32
        %dma_start3A_204 = tpu.memref_slice %arg3[%dma_start3A_202, %dma_start3A_203] : memref<1000000x64xf32, #tpu.memory_space<hbm>> -> memref<1000000x64xf32, #tpu.memory_space<hbm>>
        tpu.enqueue_indirect_dma source(%dma_start3A_204 : memref<1000000x64xf32, #tpu.memory_space<hbm>>) target(%arg8 : memref<104x64xf32, #tpu.memory_space<vmem>>) offsets(%dma_start3A_201 : memref<104xi32, #tpu.memory_space<vmem>>) semaphore(%arg12 : memref<!tpu.dma_semaphore, #tpu.memory_space<semaphore_mem>>)
      } else {
      }
      %add3A_141 = arith.constant 0 : i32
      %add3A_142 = arith.addi %add3A_30, %add3A_141 : i32
      %mul3A_143 = arith.constant 200 : i32
      %mul3A_144 = arith.muli %add3A_142, %mul3A_143 : i32
      %add3A_145 = arith.addi %mul3A_2, %mul3A_144 : i32
      %add3A_146 = arith.constant 104 : i32
      %add3A_147 = arith.addi %add3A_145, %add3A_146 : i32
      %dma_wait3A_148 = arith.constant 0 : i32
      %dma_wait3A_149 = tpu.memref_slice %arg5[%add3A_147, %dma_wait3A_148] : memref<819200x128xf32, #tpu.memory_space<hbm>> -> memref<96x64xf32, #tpu.memory_space<hbm>>
      %dma_wait3A_150 = arith.constant 0 : i32
      %dma_wait3A_151 = tpu.memref_slice %arg5[%add3A_147, %dma_wait3A_150] : memref<819200x128xf32, #tpu.memory_space<hbm>> -> memref<96x64xf32, #tpu.memory_space<hbm>>
      tpu.wait_dma2 semaphore(%arg17 : memref<!tpu.dma_semaphore, #tpu.memory_space<semaphore_mem>>) src(%arg9 : memref<96x64xf32, #tpu.memory_space<vmem>>) dst(%dma_wait3A_151 : memref<96x64xf32, #tpu.memory_space<hbm>>)
      %add3A_152 = arith.constant 2 : i32
      %add3A_153 = arith.addi %add3A_142, %add3A_152 : i32
      %lt3A_154 = arith.constant 128 : i32
      %lt3A_155 = arith.cmpi slt, %add3A_153, %lt3A_154 : i32
      %convert_element_type3A_156 = arith.extui %lt3A_155 : i1 to i32
      %cond3A_157 = arith.constant 0 : i32
      %cond3A_158 = arith.cmpi ne, %convert_element_type3A_156, %cond3A_157 : i32
      scf.if %cond3A_158 {
        %add3A_195 = arith.constant 2 : i32
        %add3A_196 = arith.addi %add3A_142, %add3A_195 : i32
        %mul3A_197 = arith.constant 200 : i32
        %mul3A_198 = arith.muli %add3A_196, %mul3A_197 : i32
        %add3A_199 = arith.constant 104 : i32
        %add3A_200 = arith.addi %mul3A_198, %add3A_199 : i32
        %dma_start3A_201 = tpu.memref_slice %arg6[%add3A_200] : memref<25600xi32, #tpu.memory_space<vmem>> -> memref<96xi32, #tpu.memory_space<vmem>>
        %dma_start3A_202 = arith.constant 0 : i32
        %dma_start3A_203 = arith.constant 0 : i32
        %dma_start3A_204 = tpu.memref_slice %arg3[%dma_start3A_202, %dma_start3A_203] : memref<1000000x64xf32, #tpu.memory_space<hbm>> -> memref<1000000x64xf32, #tpu.memory_space<hbm>>
        tpu.enqueue_indirect_dma source(%dma_start3A_204 : memref<1000000x64xf32, #tpu.memory_space<hbm>>) target(%arg9 : memref<96x64xf32, #tpu.memory_space<vmem>>) offsets(%dma_start3A_201 : memref<96xi32, #tpu.memory_space<vmem>>) semaphore(%arg13 : memref<!tpu.dma_semaphore, #tpu.memory_space<semaphore_mem>>)
      } else {
      }
      %add3A_159 = arith.constant 1 : i32
      %add3A_160 = arith.addi %add3A_30, %add3A_159 : i32
      %mul3A_161 = arith.constant 200 : i32
      %mul3A_162 = arith.muli %add3A_160, %mul3A_161 : i32
      %add3A_163 = arith.addi %mul3A_2, %mul3A_162 : i32
      %add3A_164 = arith.constant 0 : i32
      %add3A_165 = arith.addi %add3A_163, %add3A_164 : i32
      %dma_wait3A_166 = arith.constant 0 : i32
      %dma_wait3A_167 = tpu.memref_slice %arg5[%add3A_165, %dma_wait3A_166] : memref<819200x128xf32, #tpu.memory_space<hbm>> -> memref<104x64xf32, #tpu.memory_space<hbm>>
      %dma_wait3A_168 = arith.constant 0 : i32
      %dma_wait3A_169 = tpu.memref_slice %arg5[%add3A_165, %dma_wait3A_168] : memref<819200x128xf32, #tpu.memory_space<hbm>> -> memref<104x64xf32, #tpu.memory_space<hbm>>
      tpu.wait_dma2 semaphore(%arg18 : memref<!tpu.dma_semaphore, #tpu.memory_space<semaphore_mem>>) src(%arg10 : memref<104x64xf32, #tpu.memory_space<vmem>>) dst(%dma_wait3A_169 : memref<104x64xf32, #tpu.memory_space<hbm>>)
      %add3A_170 = arith.constant 2 : i32
      %add3A_171 = arith.addi %add3A_160, %add3A_170 : i32
      %lt3A_172 = arith.constant 128 : i32
      %lt3A_173 = arith.cmpi slt, %add3A_171, %lt3A_172 : i32
      %convert_element_type3A_174 = arith.extui %lt3A_173 : i1 to i32
      %cond3A_175 = arith.constant 0 : i32
      %cond3A_176 = arith.cmpi ne, %convert_element_type3A_174, %cond3A_175 : i32
      scf.if %cond3A_176 {
        %add3A_195 = arith.constant 2 : i32
        %add3A_196 = arith.addi %add3A_160, %add3A_195 : i32
        %mul3A_197 = arith.constant 200 : i32
        %mul3A_198 = arith.muli %add3A_196, %mul3A_197 : i32
        %add3A_199 = arith.constant 0 : i32
        %add3A_200 = arith.addi %mul3A_198, %add3A_199 : i32
        %dma_start3A_201 = tpu.memref_slice %arg6[%add3A_200] : memref<25600xi32, #tpu.memory_space<vmem>> -> memref<104xi32, #tpu.memory_space<vmem>>
        %dma_start3A_202 = arith.constant 0 : i32
        %dma_start3A_203 = arith.constant 0 : i32
        %dma_start3A_204 = tpu.memref_slice %arg3[%dma_start3A_202, %dma_start3A_203] : memref<1000000x64xf32, #tpu.memory_space<hbm>> -> memref<1000000x64xf32, #tpu.memory_space<hbm>>
        tpu.enqueue_indirect_dma source(%dma_start3A_204 : memref<1000000x64xf32, #tpu.memory_space<hbm>>) target(%arg10 : memref<104x64xf32, #tpu.memory_space<vmem>>) offsets(%dma_start3A_201 : memref<104xi32, #tpu.memory_space<vmem>>) semaphore(%arg14 : memref<!tpu.dma_semaphore, #tpu.memory_space<semaphore_mem>>)
      } else {
      }
      %add3A_177 = arith.constant 1 : i32
      %add3A_178 = arith.addi %add3A_30, %add3A_177 : i32
      %mul3A_179 = arith.constant 200 : i32
      %mul3A_180 = arith.muli %add3A_178, %mul3A_179 : i32
      %add3A_181 = arith.addi %mul3A_2, %mul3A_180 : i32
      %add3A_182 = arith.constant 104 : i32
      %add3A_183 = arith.addi %add3A_181, %add3A_182 : i32
      %dma_wait3A_184 = arith.constant 0 : i32
      %dma_wait3A_185 = tpu.memref_slice %arg5[%add3A_183, %dma_wait3A_184] : memref<819200x128xf32, #tpu.memory_space<hbm>> -> memref<96x64xf32, #tpu.memory_space<hbm>>
      %dma_wait3A_186 = arith.constant 0 : i32
      %dma_wait3A_187 = tpu.memref_slice %arg5[%add3A_183, %dma_wait3A_186] : memref<819200x128xf32, #tpu.memory_space<hbm>> -> memref<96x64xf32, #tpu.memory_space<hbm>>
      tpu.wait_dma2 semaphore(%arg19 : memref<!tpu.dma_semaphore, #tpu.memory_space<semaphore_mem>>) src(%arg11 : memref<96x64xf32, #tpu.memory_space<vmem>>) dst(%dma_wait3A_187 : memref<96x64xf32, #tpu.memory_space<hbm>>)
      %add3A_188 = arith.constant 2 : i32
      %add3A_189 = arith.addi %add3A_178, %add3A_188 : i32
      %lt3A_190 = arith.constant 128 : i32
      %lt3A_191 = arith.cmpi slt, %add3A_189, %lt3A_190 : i32
      %convert_element_type3A_192 = arith.extui %lt3A_191 : i1 to i32
      %cond3A_193 = arith.constant 0 : i32
      %cond3A_194 = arith.cmpi ne, %convert_element_type3A_192, %cond3A_193 : i32
      scf.if %cond3A_194 {
        %add3A_195 = arith.constant 2 : i32
        %add3A_196 = arith.addi %add3A_178, %add3A_195 : i32
        %mul3A_197 = arith.constant 200 : i32
        %mul3A_198 = arith.muli %add3A_196, %mul3A_197 : i32
        %add3A_199 = arith.constant 104 : i32
        %add3A_200 = arith.addi %mul3A_198, %add3A_199 : i32
        %dma_start3A_201 = tpu.memref_slice %arg6[%add3A_200] : memref<25600xi32, #tpu.memory_space<vmem>> -> memref<96xi32, #tpu.memory_space<vmem>>
        %dma_start3A_202 = arith.constant 0 : i32
        %dma_start3A_203 = arith.constant 0 : i32
        %dma_start3A_204 = tpu.memref_slice %arg3[%dma_start3A_202, %dma_start3A_203] : memref<1000000x64xf32, #tpu.memory_space<hbm>> -> memref<1000000x64xf32, #tpu.memory_space<hbm>>
        tpu.enqueue_indirect_dma source(%dma_start3A_204 : memref<1000000x64xf32, #tpu.memory_space<hbm>>) target(%arg11 : memref<96x64xf32, #tpu.memory_space<vmem>>) offsets(%dma_start3A_201 : memref<96xi32, #tpu.memory_space<vmem>>) semaphore(%arg15 : memref<!tpu.dma_semaphore, #tpu.memory_space<semaphore_mem>>)
      } else {
      }
    }
    %scan3A_25 = arith.constant 64 : i32
    return
  }
}

</mosaic_0001>

<sc_bundles>
// kernel: kernel.3.cloned.1.call-start
scs
__scs_entry_jumppad:
0x0: {  	(pc) =	sbr.rel $0x88, $3  }
0x1: {  	(tag) =	ssettag $0x0;
	lr =	simm.s32 $0x1  }
0x2: {  	[smem:$0x3F9E] =	sst lr;
	_ =	strace $0xD0000000  }
0x3: {  	_ = 	snop  }
0x4: {  	_ = 	snop  }
0x5: {  	_ = 	snop  }
0x6: {  	_ = 	snop  }
0x7: {  	_ = 	snop  }
__scs_overlays_trampoline_lowered:
0x8: {  	[smem:$0x3FAD] =	sst s0  }
0x9: {  	[smem:$0x3FAE] =	sst s1  }
0xa: {  	[smem:$0x3FAF] =	sst s2  }
0xb: {  	[smem:$0x3FB0] =	sst s3  }
0xc: {  	[smem:$0x3FB1] =	sst s4  }
0xd: {  	[smem:$0x3FB2] =	sst s5  }
0xe: {  	[smem:$0x3FB3] =	sst s6  }
0xf: {  	[smem:$0x3FB4] =	sst s7  }
0x10: {  	[smem:$0x3FB5] =	sst s8  }
0x11: {  	[smem:$0x3FB6] =	sst s9;
	s0 =	simm.s32 @!p0 $0x0  }
0x12: {  	s1 =	sld [smem:$0x3F9C];
	s0 =	simm.s32 @p0 $0x1  }
0x13: {  	[smem:$0x3FB7] =	sst s0;
	s0 =	simm.s32 @!p1 $0x0  }
0x14: {  	s2 =	sld [smem:$0x3F9B];
	s0 =	simm.s32 @p1 $0x1  }
0x15: {  	[smem:$0x3FB8] =	sst s0;
	s0 =	simm.s32 @!p2 $0x0  }
0x16: {  	s3 =	sld [smem:$0x3FDB];
	s0 =	simm.s32 @p2 $0x1  }
0x17: {  	s4 =	simm.s32 $0x1BF5;
	[smem:$0x3FBA] =	sst s0  }
0x18: {  	s0 =	sld [smem:$0x3F9D];
	_ =	swait.ge [sflag:s4], $0x0  }
0x19: {  	s7 =	sld [smem:$0x3F9E]  }
0x1a: {  	s8 =	sadd.s32 $0xFFFFE003, lr  }
0x1b: {  	s9 =	sadd.s32 $0xFFFFFEF7, lr;
	s5 =	simm.s32 $0xFFFFFFFF;
	p2 =	slt.u32 s8, $0xFFFFF086  }
0x1c: {  	p1 =	slt.u32 s9, $0xF7A;
	s5 =	simm.s32 @!p2 $0x0  }
0x1d: {  	s5 =	simm.s32 @p1 $0x1;
	p0 =	seq.s32 s7, s2  }
0x1e: {  	s7 =	smul.u32 @!p0 $0xF7A, s2;
	p2 =	seq.s32 @!p0 s5, $0x0  }
0x1f: {  	s9 =	smul.u32 $0xF7A, s1;
	s8 =	simm.s32 @!p0 $0x1BF5;
	p2 =	por !p2, p0  }
0x20: {  	[sflag:s8] =	ssyncset.s32 @!p0 $0xFFFFF086;
	s6 =	sadd.s32 @!p0 s3, s7;
	s7 =	simm.s32 @!p0 $0x108  }
0x21: {  	s3 =	sadd.s32 s3, s9;
	s6 =	sadd.s32 @!p0 $0x88, s6;
	s7 =	simm.s32 @p2 $0x1082  }
0x22: {  	[simem:s7], [sflag:s8] =	dma.local @!p0 [hbm:s6], $0xF7A  }
0x23: {  	s9 =	sor.u32 $0xD0000000, s2;
	s6 =	simm.s32 $0x108;
	_ =	swait.ge @!p0 [sflag:s8], $0x0  }
0x24: {  	s3 =	sadd.s32 $0x88, s3;
	s6 =	simm.s32 @!p1 $0x1082;
	[sflag:s4] =	ssyncset.s32 $0xFFFFF086  }
0x25: {  	[simem:s6], [sflag:s4] =	dma.local [hbm:s3], $0xF7A  }
0x26: {  	[smem:$0x3F9E] =	sst s1;
	(tag) =	ssettag s2;
	_ =	strace s9  }
0x27: {  	s1 =	sld [smem:$0x3FAE]  }
0x28: {  	s2 =	sld [smem:$0x3FAF]  }
0x29: {  	s4 =	sld [smem:$0x3FB1]  }
0x2a: {  	p0 =	seq.s32 s5, $0x0;
	s5 =	sld [smem:$0x3FB2]  }
0x2b: {  	s6 =	sld [smem:$0x3FB3]  }
0x2c: {  	s7 =	sld [smem:$0x3FB4]  }
0x2d: {  	s3 =	simm.s32 $0x108;
	s8 =	sld [smem:$0x3FB5]  }
0x2e: {  	s3 =	simm.s32 @!p0 $0x1082;
	s9 =	sld [smem:$0x3FB6]  }
0x2f: {  	lr =	sadd.s32 s0, s3;
	s0 =	sld [smem:$0x3FAD]  }
0x30: {  	s3 =	sld [smem:$0x3FB0]  }
0x31: {  	[smem:$0x3FB9] =	sst s10  }
0x32: {  	s10 =	sld [smem:$0x3FB7];
	_ =	sdelay $0x3  }
0x33: {  	p0 =	seq.s32 s10, $0x1;
	s10 =	sld [smem:$0x3FB9];
	_ =	sdelay $0x3  }
0x34: {  	[smem:$0x3FB9] =	sst s10  }
0x35: {  	s10 =	sld [smem:$0x3FB8];
	_ =	sdelay $0x3  }
0x36: {  	p1 =	seq.s32 s10, $0x1;
	s10 =	sld [smem:$0x3FB9];
	_ =	sdelay $0x3  }
0x37: {  	[smem:$0x3FB9] =	sst s10  }
0x38: {  	s10 =	sld [smem:$0x3FBA]  }
0x39: {  	_ = 	snop;
	(pc) =	sbr.ind lr, $3  }
0x3a: {  	_ = 	snop  }
0x3b: {  	_ = 	snop  }
0x3c: {  	p2 =	seq.s32 s10, $0x1;
	s10 =	sld [smem:$0x3FB9]  }
0x3d: {  	_ =	shalt  }
0x3e: {  	_ =	shalt  }
0x3f: {  	_ =	shalt  }
0x40: {  	_ =	shalt  }
0x41: {  	_ =	shalt  }
0x42: {  	_ =	shalt  }
0x43: {  	_ =	shalt  }
0x44: {  	_ =	shalt  }
0x45: {  	_ =	shalt  }
0x46: {  	_ =	shalt  }
0x47: {  	_ =	shalt  }
0x48: {  	_ =	shalt  }
0x49: {  	_ =	shalt  }
0x4a: {  	_ =	shalt  }
0x4b: {  	_ =	shalt  }
0x4c: {  	_ =	shalt  }
0x4d: {  	_ =	shalt  }
0x4e: {  	_ =	shalt  }
0x4f: {  	_ =	shalt  }
0x50: {  	_ =	shalt  }
0x51: {  	_ =	shalt  }
0x52: {  	_ =	shalt  }
0x53: {  	_ =	shalt  }
0x54: {  	_ =	shalt  }
0x55: {  	_ =	shalt  }
0x56: {  	_ =	shalt  }
0x57: {  	_ =	shalt  }
0x58: {  	_ =	shalt  }
0x59: {  	_ =	shalt  }
0x5a: {  	_ =	shalt  }
0x5b: {  	_ =	shalt  }
0x5c: {  	_ =	shalt  }
0x5d: {  	_ =	shalt  }
0x5e: {  	_ =	shalt  }
0x5f: {  	_ =	shalt  }
0x60: {  	_ =	shalt  }
0x61: {  	_ =	shalt  }
0x62: {  	_ =	shalt  }
0x63: {  	_ =	shalt  }
0x64: {  	_ =	shalt  }
0x65: {  	_ =	shalt  }
0x66: {  	_ =	shalt  }
0x67: {  	_ =	shalt  }
0x68: {  	_ =	shalt  }
0x69: {  	_ =	shalt  }
0x6a: {  	_ =	shalt  }
0x6b: {  	_ =	shalt  }
0x6c: {  	_ =	shalt  }
0x6d: {  	_ =	shalt  }
0x6e: {  	_ =	shalt  }
0x6f: {  	_ =	shalt  }
0x70: {  	_ =	shalt  }
0x71: {  	_ =	shalt  }
0x72: {  	_ =	shalt  }
0x73: {  	_ =	shalt  }
0x74: {  	_ =	shalt  }
0x75: {  	_ =	shalt  }
0x76: {  	_ =	shalt  }
0x77: {  	_ =	shalt  }
0x78: {  	_ =	shalt  }
0x79: {  	_ =	shalt  }
0x7a: {  	_ =	shalt  }
0x7b: {  	_ =	shalt  }
0x7c: {  	_ =	shalt  }
0x7d: {  	_ =	shalt  }
0x7e: {  	_ =	shalt  }
0x7f: {  	_ =	shalt  }
0x80: {  	_ =	shalt  }
0x81: {  	_ =	shalt  }
0x82: {  	_ =	shalt  }
0x83: {  	_ =	shalt  }
0x84: {  	_ =	shalt  }
0x85: {  	_ =	shalt  }
0x86: {  	_ =	shalt  }
0x87: {  	_ =	shalt  }
.Lfunc_end0:
.L_simem_size_0:
called_computation.1_lowered:
.L_overlay_start_0:
0x88: {  	s2 =	sld [smem:$0x3FD9]  }
0x89: {  	s3 =	sld [smem:$0x3FFE];
	_ =	sdelay $0x1  }
0x8a: {  	s1 =	srdreg.scid  }
0x8b: {  	s0 =	sand.u32 $0x1, s1  }
0x8c: {  	s17 =	sshll.u32 s0, $0xA;
	s2 =	sadd.s32 s3, s2  }
0x8d: {  	s2 =	sadd.s32 s2, s17  }
0x8e: {  	[smem:$0x3FC5] =	sst s2  }
0x8f: {  	_ = 	snop  }
0x90: {  	s2 =	sld [smem:$0x3FD0];
	(tm) =	ssettm $0x1  }
0x91: {  	s18 =	sld [smem:$0x3FFB];
	_ =	sdelay $0x3  }
0x92: {  	_ =	strace s18  }
0x93: {  	s3 =	sld [smem:$0x3FFC];
	_ =	sdelay $0x3  }
0x94: {  	_ =	strace s3  }
0x95: {  	s3 =	sld [smem:$0x3FFD];
	_ =	sdelay $0x3  }
0x96: {  	_ =	strace s3  }
0x97: {  	_ =	strace $0x8FFFFFFF  }
0x98: {  	s19 =	sld [smem:$0x3FDB];
	_ =	sdelay $0x1  }
0x99: {  	s4 =	simm.s32 $_scs_section_size  }
0x9a: {  	s5 =	simm.s32 $_size__tile_overlayer_lowered;
	s6 =	simm.s32 $_tile_overlayer_lowered  }
0x9b: {  	s22 =	simm.s32 $0x1BFF;
	s21 =	sshll.u32 s6, $0x1;
	s3 =	sadd.s32 s4, s19  }
0x9c: {  	s7 =	simm.s32 $0x0;
	s20 =	sshll.u32 s5, $0x1;
	s5 =	sadd.s32 s21, s3  }
0x9d: {  	[timem:s7], [sflag:s22] =	dma.local [hbm:s5], s20  }
0x9e: {  	_ =	swait.ge [sflag:s22], s20  }
0x9f: {  	s4 =	ssub.s32 $0x0, s20;
	[sflag:s22] =	ssyncset.done $0x0  }
0xa0: {  	[sflag:s22] =	ssyncadd.s32 s4;
	_ =	sdelay $0x1  }
0xa1: {  	s23 =	simm.s32 $0x1B8B  }
0xa2: {  	_ =	swait.ge [sflag:s23], $0x1  }
0xa3: {  	[sflag:s23] =	ssyncset.done $0x0  }
0xa4: {  	s25 =	simm.s32 $0x1B8E;
	s24 =	sld [smem:$0x3FFE];
	[sflag:s23] =	ssyncadd.s32 $0xFFFFFFFF  }
0xa5: {  	s26 =	simm.s32 $execute0_lowered;
	[smem:$0x3FD2] =	sst s25  }
0xa6: {  	s5 =	sshll.u32 s26, $0x1;
	_ =	strace $0x80000046;
	[dreg:$0x1] =	wrdreg $0xFFFFFFFF  }
0xa7: {  	s28 =	simm.s32 $_size_execute0_lowered;
	s3 =	sadd.s32 s3, s5;
	[dreg:$0x0] =	wrdreg $0x0  }
0xa8: {  	s5 =	sshll.u32 s28, $0x1;
	[dreg:$0x2] =	wrdreg s3  }
0xa9: {  	[dreg:$0x3] =	wrdreg s5  }
0xaa: {  	[dreg:$0x4] =	wrdreg $0xC0  }
0xab: {  	_ =	task [dreg:s7], $0x5FFFF  }
0xac: {  	[dreg:$0x1] =	wrdreg $0xFFFFFFFF  }
0xad: {  	[dreg:$0x0] =	wrdreg $0x60  }
0xae: {  	[dreg:$0x2] =	wrdreg s2  }
0xaf: {  	[dreg:$0x3] =	wrdreg s24  }
0xb0: {  	[dreg:$0x4] =	wrdreg $0x9  }
0xb1: {  	_ =	task.clear_ibuf [dreg:s7], $0x5FFFF;
	_ =	strace $0x90000046  }
0xb2: {  	s29 =	simm.s32 $0x9;
	_ =	strace $0x80000048  }
0xb3: {  	_ =	swait.ge [sflag:s29], $0x1  }
0xb4: {  	[sflag:s29] =	ssyncadd.s32 $0xFFFFFFFF  }
0xb5: {  	_ =	strace $0x90000048  }
0xb6: {  	_ =	sfence  }
0xb7: {  	s30 =	sld [smem:$0x0];
	_ =	sdelay $0x2  }
0xb8: {  	s31 =	sshll.u32 s1, $0xD;
	s1 =	sshrl.u32 s1, $0x2  }
0xb9: {  	s3 =	sand.u32 $0x4000, s31;
	s1 =	sadd.s32 s1, s30  }
0xba: {  	s0 =	sor.u32 s3, s0;
	s1 =	sshll.u32 s1, $0x11  }
0xbb: {  	s0 =	sor.u32 s1, s0  }
0xbc: {  	s0 =	sadd.s32 $0x8F2B, s0  }
0xbd: {  	[sflag:s0] =	ssyncadd.remote.s32 $0x1  }
0xbe: {  	_ =	sfence.sel $0xFFFF  }
0xbf: {  	[dreg:$0x0] =	wrdreg $0xFFFFFFFF;
	(pc) =	sbr.abs _section_cstart, $3  }
0xc0: {  	[dreg:$0x1] =	wrdreg $0xFFFFFFFF  }
0xc1: {  	_ =	task.clear_ibuf [dreg:s7], $0x2FFFF;
	_ =	strace $0x9FFFFFFF  }
0xc2: {  	(tm) =	ssettm $0x7FFFFFFF  }
0xc3: {  	_ =	shalt  }
tec
execute0_lowered:
.L_overlay_start_1:
0x0: {  	(tag) =	ssettag $0x1  }
0x1: {  	s0 =	rddreg [dreg:$0x0];
	s1 =	srdreg.scid  }
0x2: {  	s2 =	stileid.u32;
	s5 =	rddreg [dreg:$0x1]  }
0x3: {  	s11 =	simm.s32 $0x9;
	s13 =	simm.s32 $0x68;
	s14 =	simm.s32 $0x9600  }
0x4: {  	s15 =	simm.s32 $0x60;
	s16 =	simm.s32 $0xB000;
	s18 =	simm.s32 $0xC800  }
0x5: {  	s20 =	simm.s32 $0xE200;
	s21 =	simm.s32 $0x1;
	s22 =	simm.s32 $0x40  }
0x6: {  	s23 =	simm.s32 $0x80;
	s24 =	simm.s32 $0x2;
	s25 =	simm.s32 $0x3  }
0x7: {  	s26 =	simm.s32 $0x4;
	s28 =	simm.s32 $0x5;
	s29 =	simm.s32 $0x6  }
0x8: {  	s30 =	simm.s32 $0x7;
	s1 =	sand.u32 $0x1, s1;
	s3 =	sshll.u32 s2, $0x1  }
0x9: {  	s31 =	simm.s32 $0x8;
	s2 =	simm.s32 $0x0;
	s3 =	sor.u32 s1, s3  }
0xa: {  	s4 =	sadd.s32 $0xF43000, s5;
	s6 =	sadd.s32 $0xC00, s5;
	s3 =	smul.u32 $0x6400, s3  }
.Ltmp0:
0xb: {  	[smem:$0x7FF] =	sst s2;
	s1 =	ssub.s32 $0x2, s1;
	(pc) =	sbr.rel .LBB2_1-.Ltmp0, $4  }
0xc: {  	_ =	strace $0x80000047;
	[dreg:$0x3] =	wrdreg s6;
	s7 =	sshrl.u32 s1, $0x1  }
0xd: {  	s6 =	sadd.s32 $0x1400, s5;
	s1 =	ssub.s32 s1, s7;
	s8 =	sshrl.u32 s3, $0x3  }
0xe: {  	s9 =	sor.u32 $0xC8, s3;
	s10 =	smax.u32 s1, $0x1;
	s0 =	sadd.s32 s0, s8  }
0xf: {  	s1 =	simm.s32 $0x0;
	s8 =	sadd.s32 $0x1A80, s5;
	[dreg:$0x4] =	wrdreg s0  }
.LBB2_12:
0x10: {  	_ =	swait.ge [sflag:s29], $0x1800  }
0x11: {  	[sflag:s29] =	ssyncset.done $0x0  }
0x12: {  	s1 =	sadd.s32 $0x1, s1;
	[sflag:s29] =	ssyncadd.s32 $0xFFFFE800  }
0x13: {  	p0 =	sne.s32 s1, s10;
	_ =	swait.ge [sflag:s30], $0x1A00  }
.Ltmp1:
0x14: {  	[sflag:s30] =	ssyncset.done $0x0;
	(pc) =	sbr.rel @!p0 .LBB2_13-.Ltmp1, $4  }
0x15: {  	[sflag:s30] =	ssyncadd.s32 $0xFFFFE600  }
0x16: {  	_ =	swait.ge [sflag:s31], $0x1800  }
0x17: {  	[sflag:s31] =	ssyncset.done $0x0  }
0x18: {  	[sflag:s31] =	ssyncadd.s32 $0xFFFFE800  }
.LBB2_1:
0x19: {  	s0 =	rddreg [dreg:$0x4]  }
0x1a: {  	[tilespmem:s2], [sflag:$0x9] =	stream.linear.gather [hbm4b:s0+s2], $0x6400, $0x38;
	[tilespmem:$0xFA00] =	vst v63  }
0x1b: {  	_ =	swait.ge [sflag:s11], $0x6400  }
0x1c: {  	[sflag:s11] =	ssyncset.done $0x0  }
0x1d: {  	s5 =	simm.s32 $0x6400;
	s12 =	rddreg [dreg:$0x3];
	[sflag:s11] =	ssyncadd.s32 $0xFFFF9C00  }
0x1e: {  	[tilespmem:s5], [sflag:$0x9] =	stream.linear.gather [hbm4b:s12+s2], $0x3200, $0x38;
	[tilespmem:$0xFA00] =	vst v63  }
0x1f: {  	_ =	swait.ge [sflag:s11], $0x3200  }
0x20: {  	[sflag:s11] =	ssyncset.done $0x0  }
0x21: {  	[sflag:s11] =	ssyncadd.s32 $0xFFFFCE00  }
0x22: {  	[tilespmem:s14], [sflag:$0x1] =	stream.indirect.gather [hbm4b:s4+s13], $0x40, s2, s13, $0xb8;
	[tilespmem:$0xFA00] =	vst v63  }
0x23: {  	_ = 	snop  }
0x24: {  	[tilespmem:s16], [sflag:$0x2] =	stream.indirect.gather [hbm4b:s4+s15], $0x40, s13, s15, $0xb8;
	[tilespmem:$0xFA00] =	vst v63  }
0x25: {  	s17 =	simm.s32 $0xC8  }
0x26: {  	[tilespmem:s18], [sflag:$0x3] =	stream.indirect.gather [hbm4b:s4+s13], $0x40, s17, s13, $0xb8;
	[tilespmem:$0xFA00] =	vst v63  }
0x27: {  	s19 =	simm.s32 $0x130;
	s0 =	simm.s32 $0x0  }
0x28: {  	[tilespmem:s20], [sflag:$0x4] =	stream.indirect.gather [hbm4b:s4+s15], $0x40, s19, s15, $0xb8;
	[tilespmem:$0xFA00] =	vst v63  }
.LBB2_2:
0x29: {  	_ =	swait.ge [sflag:s21], $0x1A00  }
0x2a: {  	[sflag:s21] =	ssyncset.done $0x0  }
0x2b: {  	s12 =	simm.s32 $0x0;
	[sflag:s21] =	ssyncadd.s32 $0xFFFFE600  }
0x2c: {  	v1 =	vld [tilespmem:s12+$0x6430]  }
0x2d: {  	v2 =	vld [tilespmem:s12+$0x6400]  }
0x2e: {  	v3 =	vld [tilespmem:s12+$0x6410]  }
0x2f: {  	v0 =	vld [tilespmem:s12+$0x6420];
	_ =	sdelay $0x1  }
0x30: {  	[tilespmem:s12+$0x9630] =	vst.add.f32.msk $0xffff, v1  }
0x31: {  	[tilespmem:s12+$0x9600] =	vst.add.f32.msk $0xffff, v2  }
0x32: {  	s19 =	simm.s32 $0x40;
	s5 =	simm.s32 $0x200;
	[tilespmem:s12+$0x9610] =	vst.add.f32.msk $0xffff, v3  }
.LBB2_3:
0x33: {  	p0 =	sne.s32 s5, $0x6700;
	v1 =	vld [tilespmem:s19+$0x6430];
	v2 =	vmov v0  }
0x34: {  	v3 =	vld [tilespmem:s19+$0x6400]  }
0x35: {  	v4 =	vld [tilespmem:s19+$0x6410]  }
.Ltmp2:
0x36: {  	v0 =	vld [tilespmem:s19+$0x6420];
	(pc) =	sbr.rel @p0 .LBB2_3-.Ltmp2, $4  }
0x37: {  	[tilespmem:s12+$0x9620] =	vst.add.f32.msk $0xffff, v2;
	s12 =	smov.u32 s19  }
0x38: {  	[tilespmem:s12+$0x9630] =	vst.add.f32.msk $0xffff, v1  }
0x39: {  	[tilespmem:s12+$0x9600] =	vst.add.f32.msk $0xffff, v3  }
0x3a: {  	s19 =	sshra.s32 s5, $0x2;
	s5 =	sadd.s32 $0x100, s5;
	[tilespmem:s12+$0x9610] =	vst.add.f32.msk $0xffff, v4  }
0x3b: {  	v1 =	vld [tilespmem:s19+$0x6430]  }
0x3c: {  	v2 =	vld [tilespmem:s19+$0x6400]  }
0x3d: {  	v3 =	vld [tilespmem:s19+$0x6410]  }
0x3e: {  	v4 =	vld [tilespmem:s19+$0x6420]  }
0x3f: {  	[tilespmem:s12+$0x9620] =	vst.add.f32.msk $0xffff, v0;
	s12 =	smul.u32 $0x190, s0  }
0x40: {  	[tilespmem:s19+$0x9630] =	vst.add.f32.msk $0xffff, v1  }
0x41: {  	s5 =	sadd.s32 s3, s12;
	[tilespmem:s19+$0x9600] =	vst.add.f32.msk $0xffff, v2  }
0x42: {  	s17 =	sshll.u32 s5, $0x4;
	[tilespmem:s19+$0x9610] =	vst.add.f32.msk $0xffff, v3  }
0x43: {  	s5 =	sadd.s32 s6, s17;
	[tilespmem:s19+$0x9620] =	vst.add.f32.msk $0xffff, v4  }
0x44: {  	[hbm4b:s5+s22] =	stream.strided.scatter [tilespmem:s14], [sflag:$0x5], $0x1A00, s23, s22, $0x38;
	[tilespmem:$0xFA00] =	vst v63  }
0x45: {  	_ =	swait.ge [sflag:s24], $0x1800  }
0x46: {  	[sflag:s24] =	ssyncset.done $0x0  }
0x47: {  	s19 =	simm.s32 $0x0;
	[sflag:s24] =	ssyncadd.s32 $0xFFFFE800  }
0x48: {  	v1 =	vld [tilespmem:s19+$0x7E30]  }
0x49: {  	v2 =	vld [tilespmem:s19+$0x7E00]  }
0x4a: {  	v3 =	vld [tilespmem:s19+$0x7E10]  }
0x4b: {  	v0 =	vld [tilespmem:s19+$0x7E20];
	_ =	sdelay $0x1  }
0x4c: {  	[tilespmem:s19+$0xB030] =	vst.add.f32.msk $0xffff, v1  }
0x4d: {  	[tilespmem:s19+$0xB000] =	vst.add.f32.msk $0xffff, v2  }
0x4e: {  	s7 =	simm.s32 $0x200;
	s5 =	simm.s32 $0x40;
	[tilespmem:s19+$0xB010] =	vst.add.f32.msk $0xffff, v3  }
.LBB2_5:
0x4f: {  	p0 =	sne.s32 s7, $0x5F00;
	v1 =	vld [tilespmem:s5+$0x7E30];
	v2 =	vmov v0  }
0x50: {  	v3 =	vld [tilespmem:s5+$0x7E00]  }
0x51: {  	v4 =	vld [tilespmem:s5+$0x7E10]  }
.Ltmp3:
0x52: {  	v0 =	vld [tilespmem:s5+$0x7E20];
	(pc) =	sbr.rel @p0 .LBB2_5-.Ltmp3, $4  }
0x53: {  	[tilespmem:s19+$0xB020] =	vst.add.f32.msk $0xffff, v2;
	s19 =	smov.u32 s5  }
0x54: {  	[tilespmem:s19+$0xB030] =	vst.add.f32.msk $0xffff, v1  }
0x55: {  	[tilespmem:s19+$0xB000] =	vst.add.f32.msk $0xffff, v3  }
0x56: {  	s5 =	sshra.s32 s7, $0x2;
	s7 =	sadd.s32 $0x100, s7;
	[tilespmem:s19+$0xB010] =	vst.add.f32.msk $0xffff, v4  }
0x57: {  	v1 =	vld [tilespmem:s5+$0x7E30]  }
0x58: {  	v2 =	vld [tilespmem:s5+$0x7E00]  }
0x59: {  	v3 =	vld [tilespmem:s5+$0x7E10]  }
0x5a: {  	v4 =	vld [tilespmem:s5+$0x7E20]  }
0x5b: {  	[tilespmem:s19+$0xB020] =	vst.add.f32.msk $0xffff, v0  }
0x5c: {  	[tilespmem:s5+$0xB030] =	vst.add.f32.msk $0xffff, v1  }
0x5d: {  	[tilespmem:s5+$0xB000] =	vst.add.f32.msk $0xffff, v2  }
0x5e: {  	[tilespmem:s5+$0xB010] =	vst.add.f32.msk $0xffff, v3  }
0x5f: {  	s19 =	sadd.s32 s17, s8;
	[tilespmem:s5+$0xB020] =	vst.add.f32.msk $0xffff, v4  }
0x60: {  	[hbm4b:s19+s22] =	stream.strided.scatter [tilespmem:s16], [sflag:$0x6], $0x1800, s23, s22, $0x38;
	[tilespmem:$0xFA00] =	vst v63  }
0x61: {  	_ =	swait.ge [sflag:s25], $0x1A00  }
0x62: {  	[sflag:s25] =	ssyncset.done $0x0  }
0x63: {  	s17 =	simm.s32 $0x0;
	[sflag:s25] =	ssyncadd.s32 $0xFFFFE600  }
0x64: {  	v1 =	vld [tilespmem:s17+$0x6430]  }
0x65: {  	v2 =	vld [tilespmem:s17+$0x6400]  }
0x66: {  	v3 =	vld [tilespmem:s17+$0x6410]  }
0x67: {  	v0 =	vld [tilespmem:s17+$0x6420];
	_ =	sdelay $0x1  }
0x68: {  	[tilespmem:s17+$0xC830] =	vst.add.f32.msk $0xffff, v1  }
0x69: {  	[tilespmem:s17+$0xC800] =	vst.add.f32.msk $0xffff, v2  }
0x6a: {  	s5 =	simm.s32 $0x200;
	s19 =	simm.s32 $0x40;
	[tilespmem:s17+$0xC810] =	vst.add.f32.msk $0xffff, v3  }
.LBB2_7:
0x6b: {  	p0 =	sne.s32 s5, $0x6700;
	v1 =	vld [tilespmem:s19+$0x6430];
	v2 =	vmov v0  }
0x6c: {  	v3 =	vld [tilespmem:s19+$0x6400]  }
0x6d: {  	v4 =	vld [tilespmem:s19+$0x6410]  }
.Ltmp4:
0x6e: {  	v0 =	vld [tilespmem:s19+$0x6420];
	(pc) =	sbr.rel @p0 .LBB2_7-.Ltmp4, $4  }
0x6f: {  	[tilespmem:s17+$0xC820] =	vst.add.f32.msk $0xffff, v2;
	s17 =	smov.u32 s19  }
0x70: {  	[tilespmem:s17+$0xC830] =	vst.add.f32.msk $0xffff, v1  }
0x71: {  	[tilespmem:s17+$0xC800] =	vst.add.f32.msk $0xffff, v3  }
0x72: {  	s19 =	sshra.s32 s5, $0x2;
	s5 =	sadd.s32 $0x100, s5;
	[tilespmem:s17+$0xC810] =	vst.add.f32.msk $0xffff, v4  }
0x73: {  	v1 =	vld [tilespmem:s19+$0x6430]  }
0x74: {  	v2 =	vld [tilespmem:s19+$0x6400]  }
0x75: {  	v3 =	vld [tilespmem:s19+$0x6410]  }
0x76: {  	v4 =	vld [tilespmem:s19+$0x6420]  }
0x77: {  	[tilespmem:s17+$0xC820] =	vst.add.f32.msk $0xffff, v0  }
0x78: {  	s5 =	sadd.s32 s12, s9;
	[tilespmem:s19+$0xC830] =	vst.add.f32.msk $0xffff, v1  }
0x79: {  	s17 =	sshll.u32 s5, $0x4;
	[tilespmem:s19+$0xC800] =	vst.add.f32.msk $0xffff, v2  }
0x7a: {  	s5 =	sand.u32 $0x1FFFFF80, s17;
	[tilespmem:s19+$0xC810] =	vst.add.f32.msk $0xffff, v3  }
0x7b: {  	s5 =	sadd.s32 s6, s5;
	[tilespmem:s19+$0xC820] =	vst.add.f32.msk $0xffff, v4  }
0x7c: {  	[hbm4b:s5+s22] =	stream.strided.scatter [tilespmem:s18], [sflag:$0x7], $0x1A00, s23, s22, $0x38;
	[tilespmem:$0xFA00] =	vst v63  }
0x7d: {  	_ =	swait.ge [sflag:s26], $0x1800  }
0x7e: {  	[sflag:s26] =	ssyncset.done $0x0  }
0x7f: {  	s19 =	simm.s32 $0x0;
	[sflag:s26] =	ssyncadd.s32 $0xFFFFE800  }
0x80: {  	v1 =	vld [tilespmem:s19+$0x7E30]  }
0x81: {  	v2 =	vld [tilespmem:s19+$0x7E00]  }
0x82: {  	v3 =	vld [tilespmem:s19+$0x7E10]  }
0x83: {  	v0 =	vld [tilespmem:s19+$0x7E20];
	_ =	sdelay $0x1  }
0x84: {  	[tilespmem:s19+$0xE230] =	vst.add.f32.msk $0xffff, v1  }
0x85: {  	[tilespmem:s19+$0xE200] =	vst.add.f32.msk $0xffff, v2  }
0x86: {  	s7 =	simm.s32 $0x200;
	s5 =	simm.s32 $0x40;
	[tilespmem:s19+$0xE210] =	vst.add.f32.msk $0xffff, v3  }
.LBB2_9:
0x87: {  	p0 =	sne.s32 s7, $0x5F00;
	v1 =	vld [tilespmem:s5+$0x7E30];
	v2 =	vmov v0  }
0x88: {  	v3 =	vld [tilespmem:s5+$0x7E00]  }
0x89: {  	v4 =	vld [tilespmem:s5+$0x7E10]  }
.Ltmp5:
0x8a: {  	v0 =	vld [tilespmem:s5+$0x7E20];
	(pc) =	sbr.rel @p0 .LBB2_9-.Ltmp5, $4  }
0x8b: {  	[tilespmem:s19+$0xE220] =	vst.add.f32.msk $0xffff, v2;
	s19 =	smov.u32 s5  }
0x8c: {  	[tilespmem:s19+$0xE230] =	vst.add.f32.msk $0xffff, v1  }
0x8d: {  	[tilespmem:s19+$0xE200] =	vst.add.f32.msk $0xffff, v3  }
0x8e: {  	s5 =	sshra.s32 s7, $0x2;
	s7 =	sadd.s32 $0x100, s7;
	[tilespmem:s19+$0xE210] =	vst.add.f32.msk $0xffff, v4  }
0x8f: {  	v1 =	vld [tilespmem:s5+$0x7E30]  }
0x90: {  	v2 =	vld [tilespmem:s5+$0x7E00]  }
0x91: {  	v3 =	vld [tilespmem:s5+$0x7E10]  }
0x92: {  	v4 =	vld [tilespmem:s5+$0x7E20]  }
0x93: {  	[tilespmem:s19+$0xE220] =	vst.add.f32.msk $0xffff, v0  }
0x94: {  	[tilespmem:s5+$0xE230] =	vst.add.f32.msk $0xffff, v1  }
0x95: {  	[tilespmem:s5+$0xE200] =	vst.add.f32.msk $0xffff, v2  }
0x96: {  	p0 =	seq.s32 s0, $0x3F;
	[tilespmem:s5+$0xE210] =	vst.add.f32.msk $0xffff, v3  }
.Ltmp6:
0x97: {  	s19 =	sadd.s32 s17, s8;
	[tilespmem:s5+$0xE220] =	vst.add.f32.msk $0xffff, v4;
	(pc) =	sbr.rel @p0 .LBB2_12-.Ltmp6, $4  }
0x98: {  	[hbm4b:s19+s22] =	stream.strided.scatter [tilespmem:s20], [sflag:$0x8], $0x1800, s23, s22, $0x38;
	[tilespmem:$0xFA00] =	vst v63  }
0x99: {  	_ =	swait.ge [sflag:s28], $0x1A00  }
0x9a: {  	[sflag:s28] =	ssyncset.done $0x0  }
0x9b: {  	[sflag:s28] =	ssyncadd.s32 $0xFFFFE600  }
0x9c: {  	s5 =	sadd.s32 $0x190, s12  }
0x9d: {  	[tilespmem:s14], [sflag:$0x1] =	stream.indirect.gather [hbm4b:s4+s13], $0x40, s5, s13, $0xb8;
	[tilespmem:$0xFA00] =	vst v63  }
0x9e: {  	_ =	swait.ge [sflag:s29], $0x1800  }
0x9f: {  	[sflag:s29] =	ssyncset.done $0x0  }
0xa0: {  	s7 =	sadd.s32 $0x1F8, s12;
	[sflag:s29] =	ssyncadd.s32 $0xFFFFE800  }
0xa1: {  	[tilespmem:s16], [sflag:$0x2] =	stream.indirect.gather [hbm4b:s4+s15], $0x40, s7, s15, $0xb8;
	[tilespmem:$0xFA00] =	vst v63  }
0xa2: {  	_ =	swait.ge [sflag:s30], $0x1A00  }
0xa3: {  	[sflag:s30] =	ssyncset.done $0x0  }
0xa4: {  	s17 =	sadd.s32 $0x258, s12;
	[sflag:s30] =	ssyncadd.s32 $0xFFFFE600  }
0xa5: {  	[tilespmem:s18], [sflag:$0x3] =	stream.indirect.gather [hbm4b:s4+s13], $0x40, s17, s13, $0xb8;
	[tilespmem:$0xFA00] =	vst v63  }
.Ltmp7:
0xa6: {  	_ = 	snop;
	(pc) =	sbr.rel .LBB2_2-.Ltmp7, $4  }
0xa7: {  	_ =	swait.ge [sflag:s31], $0x1800  }
0xa8: {  	[sflag:s31] =	ssyncset.done $0x0  }
0xa9: {  	s19 =	sadd.s32 $0x2C0, s12;
	s0 =	sadd.s32 $0x1, s0;
	[sflag:s31] =	ssyncadd.s32 $0xFFFFE800  }
0xaa: {  	[tilespmem:s20], [sflag:$0x4] =	stream.indirect.gather [hbm4b:s4+s15], $0x40, s19, s15, $0xb8;
	[tilespmem:$0xFA00] =	vst v63  }
.LBB2_13:
0xab: {  	_ =	sfence.sel $0x180000  }
0xac: {  	[bflag:$0x0] =	sbarrier.arrive $0xFFFF  }
0xad: {  	_ =	strace $0x90000047  }
0xae: {  	s0 =	stileid.u32;
	[bflag:$0x2] =	sbarrier.arrive $0xFFFF  }
0xaf: {  	p0 =	sne.s32 s0, $0x0;
	s0 =	rddreg [dreg:$0x2]  }
0xb0: {  	s0 =	sadd.s32 @!p0 $0x100000, s0  }
0xb1: {  	[sflag:s0] =	ssyncadd.tile.s32 @!p0 $0x1;
	_ =	shalt  }
.Lfunc_end2:
_tile_overlayer_lowered:
.L_overlay_start_2:
0xb2: {  	(tag) =	ssettag $0x2  }
0xb3: {  	s0 =	rddreg [dreg:$0x0];
	s2 =	stileid.u32  }
0xb4: {  	s1 =	rddreg [dreg:$0x1];
	p0 =	sne.s32 s2, $0x0  }
0xb5: {  	s3 =	rddreg [dreg:$0x2];
	[bflag:$0x3] =	sbarrier.arrive $0xFFFF;
	s2 =	simm.s32 @!p0 $0x1C09  }
0xb6: {  	[timem:s3], [sflag:s2] =	dma.local @!p0 [hbm:s0], s1  }
0xb7: {  	s0 =	simm.s32 @!p0 $0x9  }
0xb8: {  	_ =	swait.ge @!p0 [sflag:s0], s1  }
0xb9: {  	s1 =	ssub.s32 @!p0 $0x0, s1;
	[sflag:s0] =	ssyncset.done @!p0 $0x0  }
0xba: {  	[sflag:s0] =	ssyncadd.s32 @!p0 s1  }
0xbb: {  	[bflag:$0x3] =	sbarrier.arrive $0xFFFF  }
0xbc: {  	_ =	shalt  }

// kernel: sparse-core-data-format-call.cloned.1.call-start
scs
called_computation_lowered:
.L_overlay_start_0:
0x0: {  	s2 =	sld [smem:$0x3FD9]  }
0x1: {  	s3 =	sld [smem:$0x3FFE];
	_ =	sdelay $0x1  }
0x2: {  	s1 =	srdreg.scid  }
0x3: {  	s0 =	sand.u32 $0x1, s1  }
0x4: {  	s18 =	sshll.u32 s0, $0xA;
	s2 =	sadd.s32 s3, s2  }
0x5: {  	s2 =	sadd.s32 s2, s18  }
0x6: {  	[smem:$0x3FC5] =	sst s2  }
0x7: {  	_ = 	snop  }
0x8: {  	s2 =	sld [smem:$0x3FD0];
	(tm) =	ssettm $0x1  }
0x9: {  	s19 =	sld [smem:$0x3FFB];
	_ =	sdelay $0x3  }
0xa: {  	_ =	strace s19  }
0xb: {  	s3 =	sld [smem:$0x3FFC];
	_ =	sdelay $0x3  }
0xc: {  	_ =	strace s3  }
0xd: {  	s3 =	sld [smem:$0x3FFD];
	_ =	sdelay $0x3  }
0xe: {  	_ =	strace s3  }
0xf: {  	_ =	strace $0x8FFFFFFF  }
0x10: {  	s20 =	sld [smem:$0x3FDB];
	_ =	sdelay $0x1  }
0x11: {  	s4 =	simm.s32 $_scs_section_size  }
0x12: {  	s5 =	simm.s32 $_size__tile_overlayer_lowered;
	s6 =	simm.s32 $_tile_overlayer_lowered  }
0x13: {  	s23 =	simm.s32 $0x1BFF;
	s22 =	sshll.u32 s6, $0x1;
	s3 =	sadd.s32 s4, s20  }
0x14: {  	s7 =	simm.s32 $0x0;
	s21 =	sshll.u32 s5, $0x1;
	s5 =	sadd.s32 s22, s3  }
0x15: {  	[timem:s7], [sflag:s23] =	dma.local [hbm:s5], s21  }
0x16: {  	_ =	swait.ge [sflag:s23], s21  }
0x17: {  	s4 =	ssub.s32 $0x0, s21;
	[sflag:s23] =	ssyncset.done $0x0  }
0x18: {  	[sflag:s23] =	ssyncadd.s32 s4;
	_ =	sdelay $0x1  }
0x19: {  	s24 =	simm.s32 $0x1B8B  }
0x1a: {  	_ =	swait.ge [sflag:s24], $0x1  }
0x1b: {  	[sflag:s24] =	ssyncset.done $0x0  }
0x1c: {  	s26 =	simm.s32 $0x1B8E;
	s25 =	sld [smem:$0x3FFE];
	[sflag:s24] =	ssyncadd.s32 $0xFFFFFFFF  }
0x1d: {  	s27 =	simm.s32 $execute0_lowered;
	[smem:$0x3FD2] =	sst s26  }
0x1e: {  	s5 =	sshll.u32 s27, $0x1;
	_ =	strace $0x80000049;
	[dreg:$0x1] =	wrdreg $0xFFFFFFFF  }
0x1f: {  	s28 =	simm.s32 $_size_execute0_lowered;
	s3 =	sadd.s32 s3, s5;
	[dreg:$0x0] =	wrdreg $0x0  }
0x20: {  	s5 =	sshll.u32 s28, $0x1;
	[dreg:$0x2] =	wrdreg s3  }
0x21: {  	[dreg:$0x3] =	wrdreg s5  }
0x22: {  	[dreg:$0x4] =	wrdreg $0xC0  }
0x23: {  	_ =	task [dreg:s7], $0x5FFFF  }
0x24: {  	[dreg:$0x1] =	wrdreg $0xFFFFFFFF  }
0x25: {  	[dreg:$0x0] =	wrdreg $0x60  }
0x26: {  	[dreg:$0x2] =	wrdreg s25  }
0x27: {  	[dreg:$0x3] =	wrdreg s2  }
0x28: {  	[dreg:$0x4] =	wrdreg $0x9  }
0x29: {  	_ =	task.clear_ibuf [dreg:s7], $0x5FFFF;
	_ =	strace $0x90000049  }
0x2a: {  	s29 =	simm.s32 $0x9;
	_ =	strace $0x8000004B  }
0x2b: {  	_ =	swait.ge [sflag:s29], $0x1  }
0x2c: {  	[sflag:s29] =	ssyncadd.s32 $0xFFFFFFFF  }
0x2d: {  	_ =	strace $0x9000004B  }
0x2e: {  	_ =	sfence  }
0x2f: {  	s30 =	sld [smem:$0x0];
	_ =	sdelay $0x2  }
0x30: {  	s31 =	sshll.u32 s1, $0xD;
	s1 =	sshrl.u32 s1, $0x2  }
0x31: {  	s3 =	sand.u32 $0x4000, s31;
	s1 =	sadd.s32 s1, s30  }
0x32: {  	s0 =	sor.u32 s3, s0;
	s1 =	sshll.u32 s1, $0x11  }
0x33: {  	s0 =	sor.u32 s1, s0  }
0x34: {  	s0 =	sadd.s32 $0x8F2B, s0  }
0x35: {  	[sflag:s0] =	ssyncadd.remote.s32 $0x1  }
0x36: {  	_ =	sfence.sel $0xFFFF  }
0x37: {  	[dreg:$0x0] =	wrdreg $0xFFFFFFFF;
	(pc) =	sbr.abs _section_cstart, $3  }
0x38: {  	[dreg:$0x1] =	wrdreg $0xFFFFFFFF  }
0x39: {  	_ =	task.clear_ibuf [dreg:s7], $0x2FFFF;
	_ =	strace $0x9FFFFFFF  }
0x3a: {  	(tm) =	ssettm $0x7FFFFFFF  }
0x3b: {  	_ =	shalt  }
tec
execute0_lowered:
.L_overlay_start_1:
0x0: {  	(tag) =	ssettag $0x1  }
0x1: {  	s0 =	srdreg.scid  }
0x2: {  	s1 =	sshll.u32 s0, $0x4  }
0x3: {  	s0 =	stileid.u32;
	s1 =	sand.u32 $0x10, s1  }
0x4: {  	s1 =	sor.u32 s0, s1  }
0x5: {  	s6 =	rddreg [dreg:$0x0];
	s4 =	simm.s32 $0x1;
	s2 =	sshll.u32 s1, $0x7  }
0x6: {  	s7 =	simm.s32 $0x2;
	s12 =	simm.s32 $0x0;
	s1 =	ssub.s32 $0x1000, s2  }
0x7: {  	s8 =	simm.s32 $0x8000;
	s13 =	simm.s32 $0x0;
	s3 =	sand.u32 $0xF80, s1  }
0x8: {  	s9 =	simm.s32 $0x0;
	s5 =	sshrl.u32 s1, $0xC;
	p0 =	sne.s32 s3, $0x0  }
.Ltmp0:
0x9: {  	s1 =	rddreg [dreg:$0x2];
	s4 =	simm.s32 @!p0 $0x0;
	(pc) =	sbr.rel .LBB1_1-.Ltmp0, $4  }
0xa: {  	s11 =	simm.s32 $0x0;
	s3 =	rddreg [dreg:$0x1];
	s5 =	sadd.s32 s4, s5  }
0xb: {  	_ =	strace $0x8000004A;
	s4 =	simm.s32 $0x1;
	s5 =	smul.u32 $0xC8, s5  }
0xc: {  	s6 =	sadd.s32 $0x1400, s6;
	s10 =	smov.u32 s2;
	[sflag:s4] =	ssyncpa.u1 $0x0  }
0xd: {  	p0 =	por $0x0, $0x0;
	[sflag:s7] =	ssyncpa.u1 $0x0;
	s7 =	sor.u32 $0x1, s5  }
.LBB1_4:
0xe: {  	s16 =	sshll.u32 s13, $0x3;
	s17 =	sand.u32 $0x78, s13  }
0xf: {  	s30 =	sand.u32 $0x7E00, s13;
	s12 =	sshll.u32 s12, $0xF;
	s16 =	sand.u32 $0xC00, s16  }
0x10: {  	[tilespmem:s15+$0x810 ss:$0x81] =	vst.msk $0xffff, v2;
	s31 =	sand.u32 $0x7, s13;
	s16 =	sor.u32 s17, s16;
	s17 =	sadd.s32 s3, s30  }
0x11: {  	[tilespmem:s15+$0x1020 ss:$0x81] =	vst.msk $0xffff, v0;
	s13 =	sshll.u32 s31, $0x12;
	s12 =	sadd.s32 s12, s17;
	s16 =	sshrl.u32 s16, $0x3  }
0x12: {  	[tilespmem:s15+$0x0 ss:$0x81] =	vst.msk $0xffff, v1;
	s13 =	sor.u32 $0x400, s13;
	s12 =	sadd.s32 s16, s12  }
0x13: {  	[hbm4b:s12+s13] =	stream.strided.scatter [tilespmem:s14], [sflag:$0x2], $0x2000, s8, s13, $0x20;
	[tilespmem:$0x8080] =	vst v63  }
.LBB1_5:
0x14: {  	s14 =	sadd.s32 $0x1, s9  }
0x15: {  	s12 =	sadd.s32 $0x1000, s10;
	s16 =	smov.u32 s10;
	p2 =	sgt.s32 s14, $0xC7  }
0x16: {  	s16 =	smov.u32 @p2 s12  }
0x17: {  	s14 =	simm.s32 @p2 $0x0;
	p2 =	sgt.s32 s16, $0xFFF  }
0x18: {  	s16 =	smov.u32 @p2 s2;
	p2 =	sne.s32 s11, s7  }
.Ltmp1:
0x19: {  	p1 =	slt.u32 s11, $0x2;
	(pc) =	sbr.rel @!p2 .LBB1_6-.Ltmp1, $4  }
0x1a: {  	s15 =	simm.s32 @!p1 $0x2  }
0x1b: {  	s13 =	smov.u32 s10;
	p0 =	por !p0, !p0;
	_ =	swait.ge @!p1 [sflag:s15], $0x2000  }
0x1c: {  	s12 =	smov.u32 s9;
	[sflag:s15] =	ssyncset.done @!p1 $0x0;
	s9 =	smov.u32 s14  }
0x1d: {  	s11 =	sadd.s32 $0x1, s11;
	[sflag:s15] =	ssyncadd.s32 @!p1 $0xFFFFE000;
	s10 =	smov.u32 s16  }
.LBB1_1:
0x1e: {  	p1 =	sge.u32 s11, s5  }
0x1f: {  	s14 =	sand.u32 @!p1 $0x1FFFFFF, s9  }
0x20: {  	s15 =	smulhi.u32 @!p1 $0x147AE15, s14;
	_ =	sdelay $0x1  }
0x21: {  	s15 =	smul.u32 @!p1 $0xC8, s15  }
0x22: {  	s16 =	sxor.u32 @!p1 $0xFFFFFFFF, s11;
	s17 =	smul.u32 @!p1 $0xC80, s10  }
0x23: {  	s31 =	sadd.s32 $0xFFFFFFFF, s11;
	s16 =	sshll.u32 @!p1 s16, $0xD;
	s14 =	ssub.s32 @!p1 s14, s15  }
0x24: {  	s15 =	sand.u32 @!p1 $0x2000, s16;
	s16 =	sadd.s32 @!p1 s6, s17;
	s14 =	sshll.u32 @!p1 s14, $0x4  }
0x25: {  	s17 =	simm.s32 @!p1 $0x6400;
	s14 =	sadd.s32 @!p1 s14, s16;
	s16 =	simm.s32 @!p1 $0x40  }
0x26: {  	[tilespmem:s15], [sflag:$0x1] =	stream.strided.gather @!p1 [hbm4b:s14+s16], $0x2000, s17, s16, $0x38;
	[tilespmem:$0x8080] =	vst v63  }
0x27: {  	p1 =	sge.u32 s31, s5  }
.Ltmp2:
0x28: {  	_ = 	snop;
	(pc) =	sbr.rel @p1 .LBB1_5-.Ltmp2, $1  }
0x29: {  	_ =	sdelay $0x3  }
0x2a: {  	s14 =	simm.s32 $0x1  }
0x2b: {  	_ =	swait.ge [sflag:s4], $0x2000;
	s14 =	simm.s32 @!p0 $0x0  }
0x2c: {  	[sflag:s4] =	ssyncset.done $0x0;
	s15 =	sshll.u32 s14, $0xD  }
0x2d: {  	[sflag:s4] =	ssyncadd.s32 $0xFFFFE000;
	s18 =	sor.u32 $0x20, s15  }
0x2e: {  	s14 =	smul.u32 $0x8100, s14;
	v3 =	vld [tilespmem:s18+$0x10]  }
0x2f: {  	s30 =	sand.u32 $0x1, s11;
	v2 =	vld [tilespmem:s18+$0xFFFFFFF0]  }
0x30: {  	s15 =	smul.u32 $0x8100, s30;
	s14 =	sshrl.u32 s14, $0x2;
	v0 =	vld [tilespmem:s18+$0x0]  }
0x31: {  	v1 =	vld [tilespmem:s18+$0xFFFFFFE0];
	s16 =	sor.u32 $0x4000, s14  }
0x32: {  	s31 =	sshrl.u32 s15, $0x2;
	s15 =	sadd.s32 $0x0, s16  }
0x33: {  	s17 =	simm.s32 $0x4;
	s18 =	sadd.s32 $0x40, s18;
	s14 =	sor.u32 $0x4000, s31;
	[tilespmem:s15+$0x1830 ss:$0x81] =	vst.msk $0xffff, v3  }
.LBB1_3:
0x34: {  	v3 =	vld [tilespmem:s18+$0x10];
	p1 =	sne.s32 s17, $0x1FC;
	[tilespmem:s15+$0x810 ss:$0x81] =	vst.msk $0xffff, v2;
	s19 =	smov.u32 s17;
	s17 =	sadd.s32 $0x4, s17  }
.Ltmp3:
0x35: {  	v2 =	vld [tilespmem:s18+$0xFFFFFFF0];
	[tilespmem:s15+$0x1020 ss:$0x81] =	vst.msk $0xffff, v0;
	(pc) =	sbr.rel @p1 .LBB1_3-.Ltmp3, $4  }
0x36: {  	v0 =	vld [tilespmem:s18+$0x0];
	[tilespmem:s15+$0x0 ss:$0x81] =	vst.msk $0xffff, v1  }
0x37: {  	s15 =	sshra.s32 s19, $0x2;
	v1 =	vld [tilespmem:s18+$0xFFFFFFE0]  }
0x38: {  	s15 =	sadd.s32 s15, s16  }
0x39: {  	s18 =	sadd.s32 $0x40, s18;
	[tilespmem:s15+$0x1830 ss:$0x81] =	vst.msk $0xffff, v3  }
.Ltmp4:
0x3a: {  	_ = 	snop;
	(pc) =	sbr.rel .LBB1_4-.Ltmp4, $1  }
0x3b: {  	_ =	sdelay $0x3  }
.LBB1_6:
0x3c: {  	_ =	sfence.sel $0x180000  }
0x3d: {  	s2 =	simm.s32 $0x1;
	[bflag:$0x0] =	sbarrier.arrive $0xFFFF  }
0x3e: {  	s31 =	simm.s32 $0x2;
	[sflag:s2] =	ssyncpa.u1 $0x1  }
0x3f: {  	[sflag:s31] =	ssyncpa.u1 $0x1  }
0x40: {  	p0 =	sne.s32 s0, $0x0;
	_ =	strace $0x9000004A  }
0x41: {  	s0 =	sadd.s32 @!p0 $0x100000, s1;
	[bflag:$0x2] =	sbarrier.arrive $0xFFFF  }
0x42: {  	[sflag:s0] =	ssyncadd.tile.s32 @!p0 $0x1;
	_ =	shalt  }
.Lfunc_end1:
_tile_overlayer_lowered:
.L_overlay_start_2:
0x43: {  	(tag) =	ssettag $0x2  }
0x44: {  	s0 =	rddreg [dreg:$0x0];
	s2 =	stileid.u32  }
0x45: {  	s1 =	rddreg [dreg:$0x1];
	p0 =	sne.s32 s2, $0x0  }
0x46: {  	s3 =	rddreg [dreg:$0x2];
	[bflag:$0x3] =	sbarrier.arrive $0xFFFF;
	s2 =	simm.s32 @!p0 $0x1C01  }
0x47: {  	[timem:s3], [sflag:s2] =	dma.local @!p0 [hbm:s0], s1  }
0x48: {  	s0 =	simm.s32 @!p0 $0x1  }
0x49: {  	_ =	swait.ge @!p0 [sflag:s0], s1  }
0x4a: {  	s1 =	ssub.s32 @!p0 $0x0, s1;
	[sflag:s0] =	ssyncset.done @!p0 $0x0  }
0x4b: {  	[sflag:s0] =	ssyncadd.s32 @!p0 s1  }
0x4c: {  	[bflag:$0x3] =	sbarrier.arrive $0xFFFF  }
0x4d: {  	_ =	shalt  }

</sc_bundles>
